<compile_context>
chip_gen: v7x
topology: tpu7x:2x2x1
jax: 0.10.2.dev20260603
libtpu: 0.0.44.dev20260713+nightly
codegen_flags: <defaults>
</compile_context>

<pallas_src>
import functools

import jax
import jax.numpy as jnp
from jax import lax
from jax.experimental import pallas as pl
from jax.experimental.pallas import tpu as pltpu
from jax.experimental.pallas import tpu_sc as plsc

VOC = 512
EMB = 128
HID = 128
HH = HID // 2
B = 16
LS = 514
LT = 513
NV = VOC + 1

TROWS = 520
NW = 32
PER_W = 264
SUB = 88
NSUB = PER_W // SUB
NTOK = NW * PER_W

CH_R = 128
GR_R = 5
CH_P = 32
GR_P = 17

def _prep_body(emb_ref, t_ref):
    row = lax.broadcasted_iota(jnp.int32, (TROWS, 1), 0)
    t_ref[...] = jnp.where(row != 0, emb_ref[...], 0.0)


def _masked_table(emb_pad):
    return pl.pallas_call(
        _prep_body,
        out_shape=jax.ShapeDtypeStruct((TROWS, EMB), jnp.float32),
    )(emb_pad)


def _sc_gather(table, idx_f, idx_b, idx_m):
    mesh = plsc.VectorSubcoreMesh(core_axis_name="c", subcore_axis_name="s")

    @functools.partial(
        pl.kernel,
        mesh=mesh,
        out_type=[
            jax.ShapeDtypeStruct((NTOK, EMB), jnp.float32),
            jax.ShapeDtypeStruct((NTOK, EMB), jnp.float32),
            jax.ShapeDtypeStruct((NTOK, EMB), jnp.float32),
        ],
        scratch_types=[
            [pltpu.VMEM((SUB,), jnp.int32) for _ in range(4)],
            [pltpu.VMEM((SUB, EMB), jnp.float32) for _ in range(4)],
            pltpu.SemaphoreType.DMA,
            pltpu.SemaphoreType.DMA,
        ],
    )
    def k(t_hbm, if_hbm, ib_hbm, im_hbm,
          xf_hbm, xb_hbm, xm_hbm, idx_v, row_v, gsem, osem):
        wid = lax.axis_index("s") * 2 + lax.axis_index("c")
        base = wid * PER_W
        tasks = []
        for s in range(NSUB):
            off = base + s * SUB
            tasks.append((if_hbm, xf_hbm, off))
            tasks.append((ib_hbm, xb_hbm, off))
            tasks.append((im_hbm, xm_hbm, off))
        nt = len(tasks)

        def start(t):
            src_idx, _, off = tasks[t]
            slot = t % 4
            pltpu.sync_copy(src_idx.at[pl.ds(off, SUB)], idx_v[slot])
            return pltpu.async_copy(t_hbm.at[idx_v[slot]], row_v[slot], gsem)

        gath = [start(0), start(1)]
        outs = []
        for t in range(nt):
            gath[t].wait()
            if len(outs) >= 2:
                outs.pop(0).wait()
            if t + 2 < nt:
                gath.append(start(t + 2))
            _, dst, off = tasks[t]
            outs.append(
                pltpu.async_copy(row_v[t % 4], dst.at[pl.ds(off, SUB)], osem))
        for o in outs:
            o.wait()

    return k(table, idx_f, idx_b, idx_m)


def _rec_body(ef_ref, eb_ref, em_ref, wi_ref, bfb_ref, bm_ref,
              wfb_ref, wm_ref, h_out, h_s, c_s, xfb_s, xm_s):
    j = pl.program_id(0)

    @pl.when(j == 0)
    def _():
        h_s[...] = jnp.zeros_like(h_s)
        c_s[...] = jnp.zeros_like(c_s)

    for sidx, e_ref in ((0, ef_ref), (1, eb_ref)):
        emb = e_ref[...].reshape(CH_R * B, EMB)
        xs = jnp.dot(emb, wi_ref[:, 4 * HH * sidx:4 * HH * (sidx + 1)],
                     preferred_element_type=jnp.float32)
        for gate in range(4):
            c0 = HID * gate + HH * sidx
            xfb_s[:, :, c0:c0 + HH] = (
                xs[:, gate * HH:(gate + 1) * HH].reshape(CH_R, B, HH)
                + bfb_ref[:, :, c0:c0 + HH])
    emb = em_ref[...].reshape(CH_R * B, EMB)
    xm_s[...] = (jnp.dot(emb, wi_ref[:, 8 * HH:],
                         preferred_element_type=jnp.float32)
                 + bm_ref[0]).reshape(CH_R, B, 4 * HID)

    wfb = wfb_ref[...]
    wm = wm_ref[...]

    def step(k, carry):
        hfb, hm, cfb, cm = carry
        g1 = (jnp.dot(hfb.astype(jnp.bfloat16), wfb,
                      preferred_element_type=jnp.float32) + xfb_s[k])
        g2 = (jnp.dot(hm.astype(jnp.bfloat16), wm,
                      preferred_element_type=jnp.float32) + xm_s[k])
        i1 = jax.nn.sigmoid(g1[:, 0:HID])
        f1 = jax.nn.sigmoid(g1[:, HID:2 * HID])
        gg1 = jnp.tanh(g1[:, 2 * HID:3 * HID])
        o1 = jax.nn.sigmoid(g1[:, 3 * HID:])
        i2 = jax.nn.sigmoid(g2[:, 0:HID])
        f2 = jax.nn.sigmoid(g2[:, HID:2 * HID])
        gg2 = jnp.tanh(g2[:, 2 * HID:3 * HID])
        o2 = jax.nn.sigmoid(g2[:, 3 * HID:])
        cfb2 = f1 * cfb + i1 * gg1
        cm2 = f2 * cm + i2 * gg2
        hfb2 = o1 * jnp.tanh(cfb2)
        hm2 = o2 * jnp.tanh(cm2)
        h_out[k, :, 0:HID] = hfb2
        h_out[k, :, HID:] = hm2
        return hfb2, hm2, cfb2, cm2

    def pair(p, carry):
        return step(2 * p + 1, step(2 * p, carry))

    npair = jnp.minimum(CH_R, LS - j * CH_R) // 2
    hfb, hm, cfb, cm = lax.fori_loop(
        0, npair, pair,
        (h_s[:, 0:HID], h_s[:, HID:], c_s[:, 0:HID], c_s[:, HID:]))
    h_s[:, 0:HID] = hfb
    h_s[:, HID:] = hm
    c_s[:, 0:HID] = cfb
    c_s[:, HID:] = cm


def _recurrence(ef, eb, em, w_in, b_fb, b_m, w_fb, w_m):
    return pl.pallas_call(
        _rec_body,
        grid=(GR_R,),
        in_specs=[
            pl.BlockSpec((CH_R, B, EMB), lambda j: (j, 0, 0)),
            pl.BlockSpec((CH_R, B, EMB), lambda j: (j, 0, 0)),
            pl.BlockSpec((CH_R, B, EMB), lambda j: (j, 0, 0)),
            pl.BlockSpec((EMB, 8 * HID), lambda j: (0, 0)),
            pl.BlockSpec((1, 1, 4 * HID), lambda j: (0, 0, 0)),
            pl.BlockSpec((1, 1, 4 * HID), lambda j: (0, 0, 0)),
            pl.BlockSpec((HID, 4 * HID), lambda j: (0, 0)),
            pl.BlockSpec((HID, 4 * HID), lambda j: (0, 0)),
        ],
        out_specs=pl.BlockSpec((CH_R, B, 2 * HID), lambda j: (j, 0, 0)),
        out_shape=jax.ShapeDtypeStruct((LS, B, 2 * HID), jnp.float32),
        scratch_shapes=[
            pltpu.VMEM((B, 2 * HID), jnp.float32),
            pltpu.VMEM((B, 2 * HID), jnp.float32),
            pltpu.VMEM((CH_R, B, 4 * HID), jnp.float32),
            pltpu.VMEM((CH_R, B, 4 * HID), jnp.float32),
        ],
    )(ef, eb, em, w_in, b_fb, b_m, w_fb, w_m)


def _proj_body(h_ref, hb_ref, ws_ref, bs_ref, wi_ref, bi_ref,
               len_ref, out_ref):
    j = pl.program_id(0)
    h = h_ref[...]
    hfb = jnp.concatenate([h[:, :, 0:HH], hb_ref[...]], axis=2)
    ctx = (hfb + h[:, :, 2 * HH:]).reshape(CH_P * B, HID)
    tloc = lax.broadcasted_iota(jnp.int32, (CH_P, B, 1), 0) + j * CH_P
    mask = tloc < (len_ref[...] - 1)
    for o, (w_ref, b_ref) in enumerate(((ws_ref, bs_ref), (wi_ref, bi_ref))):
        logits = jnp.dot(ctx, w_ref[...],
                         preferred_element_type=jnp.float32) + b_ref[...]
        m = jnp.max(logits, axis=1, keepdims=True)
        ls = jnp.log(jnp.sum(jnp.exp(logits - m), axis=1, keepdims=True)) + m
        out3 = (logits - ls).reshape(CH_P, B, NV)
        out_ref[o] = jnp.where(mask, out3, 0.0)


def _projection(h_all, hb, Wsub, bsub, Wins, bins, lengths):
    return pl.pallas_call(
        _proj_body,
        grid=(GR_P,),
        in_specs=[
            pl.BlockSpec((CH_P, B, 2 * HID), lambda j: (j, 0, 0)),
            pl.BlockSpec((CH_P, B, HH), lambda j: (j, 0, 0)),
            pl.BlockSpec((HID, NV), lambda j: (0, 0)),
            pl.BlockSpec((1, NV), lambda j: (0, 0)),
            pl.BlockSpec((HID, NV), lambda j: (0, 0)),
            pl.BlockSpec((1, NV), lambda j: (0, 0)),
            pl.BlockSpec((1, B, 1), lambda j: (0, 0, 0)),
        ],
        out_specs=pl.BlockSpec((2, CH_P, B, NV), lambda j: (0, j, 0, 0)),
        out_shape=jax.ShapeDtypeStruct((2, LT, B, NV), jnp.float32),
    )(h_all, hb, Wsub, bsub.reshape(1, -1), Wins, bins.reshape(1, -1),
      lengths.reshape(1, -1, 1))


def kernel(source_tokens, target_tokens, lengths, embedding,
           Wih_f, Whh_f, b_f, Wih_b, Whh_b, b_b,
           Wih_m, Whh_m, b_m, Wsub, bsub, Wins, bins):
    emb_pad = jnp.pad(embedding, ((0, TROWS - embedding.shape[0]), (0, 0)))
    table = _masked_table(emb_pad)

    idx_f = jnp.pad(source_tokens.reshape(-1), (0, NTOK - LS * B))
    idx_b = jnp.pad(jnp.flip(source_tokens, 0).reshape(-1),
                    (0, NTOK - LS * B))
    idx_m = jnp.pad(target_tokens.reshape(-1), (0, NTOK - LT * B))
    ef, eb, em = _sc_gather(table, idx_f, idx_b, idx_m)
    ef = ef.reshape(NTOK // B, B, EMB)
    eb = eb.reshape(NTOK // B, B, EMB)
    em = em.reshape(NTOK // B, B, EMB)

    w_in = jnp.concatenate([Wih_f.T, Wih_b.T, Wih_m.T], axis=1)
    b_fb = jnp.zeros((4 * HID,), jnp.float32)
    w_fb = jnp.zeros((HID, 4 * HID), jnp.float32)
    for sidx, (bias, whhT) in enumerate(((b_f, Whh_f.T), (b_b, Whh_b.T))):
        for gate in range(4):
            c0 = HID * gate + HH * sidx
            b_fb = b_fb.at[c0:c0 + HH].set(bias[gate * HH:(gate + 1) * HH])
            w_fb = w_fb.at[HH * sidx:HH * (sidx + 1), c0:c0 + HH].set(
                whhT[:, gate * HH:(gate + 1) * HH])
    b_fb = b_fb.reshape(1, 1, 4 * HID)
    b_m = b_m.reshape(1, 1, 4 * HID)

    h_all = _recurrence(ef, eb, em, w_in, b_fb, b_m,
                        w_fb.astype(jnp.bfloat16),
                        Whh_m.T.astype(jnp.bfloat16))
    hb = jnp.flip(h_all[:, :, HH:2 * HH], 0)

    return _projection(h_all, hb, Wsub, bsub, Wins, bins, lengths)

# --- scband reference (transcript-rebuilt; emitter-appended) ---
"""Pipeline reference for scband-edit-model-47828755808724 (READ-ONLY COPY).

The authoritative reference and input builder live on the scoring server;
editing this copy changes nothing except your own understanding.
"""

import jax, jax.numpy as jnp
import numpy as np

VOC = 512
EMB = 128
HID = 128
B = 16
LS = 514
LT = 513


def _lstm_scan(xs, Wih, Whh, b, reverse=False):
    Bt = xs.shape[1]
    H = Whh.shape[1]

    def step(carry, x):
        h, c = carry
        g = x @ Wih.T + h @ Whh.T + b
        i, f, gg, o = jnp.split(g, 4, axis=-1)
        i = jax.nn.sigmoid(i)
        f = jax.nn.sigmoid(f)
        gg = jnp.tanh(gg)
        o = jax.nn.sigmoid(o)
        c2 = f * c + i * gg
        h2 = o * jnp.tanh(c2)
        return (h2, c2), h2

    init = (jnp.zeros((Bt, H), xs.dtype), jnp.zeros((Bt, H), xs.dtype))
    _, hs = jax.lax.scan(step, init, xs, reverse=reverse)
    return hs


def setup_inputs(seed: int = 0) -> dict:
    key = jax.random.key(seed)
    ks = [jax.random.fold_in(key, i) for i in range(20)]
    source_tokens = jax.random.randint(ks[0], (LS, B), 0, VOC + 3).astype(jnp.int32)
    target_tokens = jax.random.randint(ks[1], (LT, B), 0, VOC + 2).astype(jnp.int32)
    lengths = jnp.clip(jax.random.randint(ks[2], (B,), 2, LS), 2, LS).astype(jnp.int32)
    s = 0.05
    Hh = HID // 2
    embedding = jax.random.normal(ks[3], (VOC + 3, EMB), jnp.float32) * s
    Wih_f = jax.random.normal(ks[4], (4 * Hh, EMB), jnp.float32) * s
    Whh_f = jax.random.normal(ks[5], (4 * Hh, Hh), jnp.float32) * s
    b_f = jnp.zeros((4 * Hh,), jnp.float32)
    Wih_b = jax.random.normal(ks[6], (4 * Hh, EMB), jnp.float32) * s
    Whh_b = jax.random.normal(ks[7], (4 * Hh, Hh), jnp.float32) * s
    b_b = jnp.zeros((4 * Hh,), jnp.float32)
    Wih_m = jax.random.normal(ks[8], (4 * HID, EMB), jnp.float32) * s
    Whh_m = jax.random.normal(ks[9], (4 * HID, HID), jnp.float32) * s
    b_m = jnp.zeros((4 * HID,), jnp.float32)
    Wsub = jax.random.normal(ks[10], (HID, VOC + 1), jnp.float32) * s
    bsub = jnp.zeros((VOC + 1,), jnp.float32)
    Wins = jax.random.normal(ks[11], (HID, VOC + 1), jnp.float32) * s
    bins = jnp.zeros((VOC + 1,), jnp.float32)
    return {
        'source_tokens': source_tokens,
        'target_tokens': target_tokens,
        'lengths': lengths,
        'embedding': embedding,
        'Wih_f': Wih_f, 'Whh_f': Whh_f, 'b_f': b_f,
        'Wih_b': Wih_b, 'Whh_b': Whh_b, 'b_b': b_b,
        'Wih_m': Wih_m, 'Whh_m': Whh_m, 'b_m': b_m,
        'Wsub': Wsub, 'bsub': bsub,
        'Wins': Wins, 'bins': bins,
    }


def reference(source_tokens, target_tokens, lengths, embedding,
              Wih_f, Whh_f, b_f, Wih_b, Whh_b, b_b,
              Wih_m, Whh_m, b_m, Wsub, bsub, Wins, bins):
    # padding_idx=0 -> zero embedding row (nn.Embedding padding_idx semantics)
    pad_mask = (jnp.arange(embedding.shape[0]) != 0).astype(embedding.dtype)[:, None]
    table = embedding * pad_mask
    # gather: embedding lookup of packed/padded one-hot indexes
    emb_src = jnp.take(table, source_tokens, axis=0)  # (LS, B, EMB)
    emb_tgt = jnp.take(table, target_tokens, axis=0)  # (LT, B, EMB)
    # encoder_prior: bidirectional LSTM (hidden = lstm_hidden_dim//2 per direction)
    hf = _lstm_scan(emb_src, Wih_f, Whh_f, b_f, reverse=False)
    hb = _lstm_scan(emb_src, Wih_b, Whh_b, b_b, reverse=True)
    h_prior = jnp.concatenate([hf, hb], axis=-1)  # (LS, B, HID)
    # encoder_modern: shared embedding + unidirectional LSTM over targets
    h_mod = _lstm_scan(emb_tgt, Wih_m, Whh_m, b_m, reverse=False)  # (LT, B, HID)
    # 'context of y ready to be summed with the context of x'
    ctx = h_prior[:LT] + h_mod
    sub = jax.nn.log_softmax(ctx @ Wsub + bsub, axis=-1)  # q_sub over Sigma u {<del>}
    ins = jax.nn.log_softmax(ctx @ Wins + bins, axis=-1)  # q_ins over Sigma u {<end>}
    # isElementOutOfRange: neutral log-prob 0 in padding zones
    mask = (jnp.arange(LT)[:, None] < (lengths - 1)[None, :])[..., None]
    sub = jnp.where(mask, sub, 0.0)
    ins = jnp.where(mask, ins, 0.0)
    return jnp.stack([sub, ins], axis=0)  # (2, LT, B, VOC+1)

if __name__ == "__main__":
    import jax
    _d = setup_inputs()
    print(jax.jit(kernel)(*tuple(_d.values())))

</pallas_src>

<mosaic_0001>
#map = affine_map<(d0, d1) -> (0, 0)>
#map1 = affine_map<(d0, d1) -> (0)>
module attributes {stable_mosaic.version = 14 : i64} {
  func.func @k(%arg0: i32, %arg1: i32, %arg2: memref<520x128xf32, #tpu.memory_space<hbm>>, %arg3: memref<8448xi32, #tpu.memory_space<hbm>>, %arg4: memref<8448xi32, #tpu.memory_space<hbm>>, %arg5: memref<8448xi32, #tpu.memory_space<hbm>>, %arg6: memref<8448x128xf32, #tpu.memory_space<hbm>>, %arg7: memref<8448x128xf32, #tpu.memory_space<hbm>>, %arg8: memref<8448x128xf32, #tpu.memory_space<hbm>>, %arg9: memref<88xi32, #tpu.memory_space<vmem>>, %arg10: memref<88xi32, #tpu.memory_space<vmem>>, %arg11: memref<88xi32, #tpu.memory_space<vmem>>, %arg12: memref<88xi32, #tpu.memory_space<vmem>>, %arg13: memref<88x128xf32, #tpu.memory_space<vmem>>, %arg14: memref<88x128xf32, #tpu.memory_space<vmem>>, %arg15: memref<88x128xf32, #tpu.memory_space<vmem>>, %arg16: memref<88x128xf32, #tpu.memory_space<vmem>>, %arg17: memref<!tpu.dma_semaphore, #tpu.memory_space<semaphore_mem>>, %arg18: memref<!tpu.dma_semaphore, #tpu.memory_space<semaphore_mem>>) attributes {dimension_semantics = [#tpu.dimension_semantics<core_parallel>, #tpu.dimension_semantics<subcore_parallel>], iteration_bounds = array<i64: 2, 16>, scalar_prefetch = 0 : i64, scratch_operands = 10 : i64, tpu.core_type = #tpu.core_type<sc_vector_subcore>, window_params = [{transform_indices = #map}, {transform_indices = #map1}, {transform_indices = #map1}, {transform_indices = #map1}, {transform_indices = #map}, {transform_indices = #map}, {transform_indices = #map}]} {
    %mul3A = arith.constant 2 : i32
    %mul3A_0 = arith.muli %arg1, %mul3A : i32
    %add3A = arith.addi %mul3A_0, %arg0 : i32
    %mul3A_1 = arith.constant 264 : i32
    %mul3A_2 = arith.muli %add3A, %mul3A_1 : i32
    %add3A_3 = arith.constant 0 : i32
    %add3A_4 = arith.addi %mul3A_2, %add3A_3 : i32
    %add3A_5 = arith.constant 88 : i32
    %add3A_6 = arith.addi %mul3A_2, %add3A_5 : i32
    %add3A_7 = arith.constant 176 : i32
    %add3A_8 = arith.addi %mul3A_2, %add3A_7 : i32
    "tpu.region"() ({
      %run_scoped3A = tpu.sem_alloc : memref<!tpu.dma_semaphore, #tpu.memory_space<semaphore_mem>>
      %dma_start3A_133 = tpu.memref_slice %arg3[%add3A_4] : memref<8448xi32, #tpu.memory_space<hbm>> -> memref<88xi32, #tpu.memory_space<hbm>>
      %dma_start3A_134 = tpu.memref_slice %arg3[%add3A_4] : memref<8448xi32, #tpu.memory_space<hbm>> -> memref<88xi32, #tpu.memory_space<hbm>>
      tpu.enqueue_dma source(%dma_start3A_134 : memref<88xi32, #tpu.memory_space<hbm>>) target(%arg9 : memref<88xi32, #tpu.memory_space<vmem>>) target_semaphore(%run_scoped3A : memref<!tpu.dma_semaphore, #tpu.memory_space<semaphore_mem>>)
      %dma_wait3A_135 = tpu.memref_slice %arg3[%add3A_4] : memref<8448xi32, #tpu.memory_space<hbm>> -> memref<88xi32, #tpu.memory_space<hbm>>
      %dma_wait3A_136 = tpu.memref_slice %arg3[%add3A_4] : memref<8448xi32, #tpu.memory_space<hbm>> -> memref<88xi32, #tpu.memory_space<hbm>>
      tpu.wait_dma2 semaphore(%run_scoped3A : memref<!tpu.dma_semaphore, #tpu.memory_space<semaphore_mem>>) src(%dma_wait3A_136 : memref<88xi32, #tpu.memory_space<hbm>>) dst(%arg9 : memref<88xi32, #tpu.memory_space<vmem>>)
      tpu.yield
    }) : () -> ()
    %dma_start3A = arith.constant 0 : i32
    %dma_start3A_9 = arith.constant 0 : i32
    %dma_start3A_10 = tpu.memref_slice %arg2[%dma_start3A, %dma_start3A_9] : memref<520x128xf32, #tpu.memory_space<hbm>> -> memref<520x128xf32, #tpu.memory_space<hbm>>
    tpu.enqueue_indirect_dma source(%dma_start3A_10 : memref<520x128xf32, #tpu.memory_space<hbm>>) target(%arg13 : memref<88x128xf32, #tpu.memory_space<vmem>>) offsets(%arg9 : memref<88xi32, #tpu.memory_space<vmem>>) semaphore(%arg17 : memref<!tpu.dma_semaphore, #tpu.memory_space<semaphore_mem>>)
    "tpu.region"() ({
      %run_scoped3A = tpu.sem_alloc : memref<!tpu.dma_semaphore, #tpu.memory_space<semaphore_mem>>
      %dma_start3A_133 = tpu.memref_slice %arg4[%add3A_4] : memref<8448xi32, #tpu.memory_space<hbm>> -> memref<88xi32, #tpu.memory_space<hbm>>
      %dma_start3A_134 = tpu.memref_slice %arg4[%add3A_4] : memref<8448xi32, #tpu.memory_space<hbm>> -> memref<88xi32, #tpu.memory_space<hbm>>
      tpu.enqueue_dma source(%dma_start3A_134 : memref<88xi32, #tpu.memory_space<hbm>>) target(%arg10 : memref<88xi32, #tpu.memory_space<vmem>>) target_semaphore(%run_scoped3A : memref<!tpu.dma_semaphore, #tpu.memory_space<semaphore_mem>>)
      %dma_wait3A_135 = tpu.memref_slice %arg4[%add3A_4] : memref<8448xi32, #tpu.memory_space<hbm>> -> memref<88xi32, #tpu.memory_space<hbm>>
      %dma_wait3A_136 = tpu.memref_slice %arg4[%add3A_4] : memref<8448xi32, #tpu.memory_space<hbm>> -> memref<88xi32, #tpu.memory_space<hbm>>
      tpu.wait_dma2 semaphore(%run_scoped3A : memref<!tpu.dma_semaphore, #tpu.memory_space<semaphore_mem>>) src(%dma_wait3A_136 : memref<88xi32, #tpu.memory_space<hbm>>) dst(%arg10 : memref<88xi32, #tpu.memory_space<vmem>>)
      tpu.yield
    }) : () -> ()
    %dma_start3A_11 = arith.constant 0 : i32
    %dma_start3A_12 = arith.constant 0 : i32
    %dma_start3A_13 = tpu.memref_slice %arg2[%dma_start3A_11, %dma_start3A_12] : memref<520x128xf32, #tpu.memory_space<hbm>> -> memref<520x128xf32, #tpu.memory_space<hbm>>
    tpu.enqueue_indirect_dma source(%dma_start3A_13 : memref<520x128xf32, #tpu.memory_space<hbm>>) target(%arg14 : memref<88x128xf32, #tpu.memory_space<vmem>>) offsets(%arg10 : memref<88xi32, #tpu.memory_space<vmem>>) semaphore(%arg17 : memref<!tpu.dma_semaphore, #tpu.memory_space<semaphore_mem>>)
    %dma_wait3A = arith.constant 0 : i32
    %dma_wait3A_14 = arith.constant 0 : i32
    %dma_wait3A_15 = tpu.memref_slice %arg2[%dma_wait3A, %dma_wait3A_14] : memref<520x128xf32, #tpu.memory_space<hbm>> -> memref<520x128xf32, #tpu.memory_space<hbm>>
    tpu.wait_indirect_dma semaphore(%arg17 : memref<!tpu.dma_semaphore, #tpu.memory_space<semaphore_mem>>) src(%dma_wait3A_15 : memref<520x128xf32, #tpu.memory_space<hbm>>) dst(%arg13 : memref<88x128xf32, #tpu.memory_space<vmem>>)
    "tpu.region"() ({
      %run_scoped3A = tpu.sem_alloc : memref<!tpu.dma_semaphore, #tpu.memory_space<semaphore_mem>>
      %dma_start3A_133 = tpu.memref_slice %arg5[%add3A_4] : memref<8448xi32, #tpu.memory_space<hbm>> -> memref<88xi32, #tpu.memory_space<hbm>>
      %dma_start3A_134 = tpu.memref_slice %arg5[%add3A_4] : memref<8448xi32, #tpu.memory_space<hbm>> -> memref<88xi32, #tpu.memory_space<hbm>>
      tpu.enqueue_dma source(%dma_start3A_134 : memref<88xi32, #tpu.memory_space<hbm>>) target(%arg11 : memref<88xi32, #tpu.memory_space<vmem>>) target_semaphore(%run_scoped3A : memref<!tpu.dma_semaphore, #tpu.memory_space<semaphore_mem>>)
      %dma_wait3A_135 = tpu.memref_slice %arg5[%add3A_4] : memref<8448xi32, #tpu.memory_space<hbm>> -> memref<88xi32, #tpu.memory_space<hbm>>
      %dma_wait3A_136 = tpu.memref_slice %arg5[%add3A_4] : memref<8448xi32, #tpu.memory_space<hbm>> -> memref<88xi32, #tpu.memory_space<hbm>>
      tpu.wait_dma2 semaphore(%run_scoped3A : memref<!tpu.dma_semaphore, #tpu.memory_space<semaphore_mem>>) src(%dma_wait3A_136 : memref<88xi32, #tpu.memory_space<hbm>>) dst(%arg11 : memref<88xi32, #tpu.memory_space<vmem>>)
      tpu.yield
    }) : () -> ()
    %dma_start3A_16 = arith.constant 0 : i32
    %dma_start3A_17 = arith.constant 0 : i32
    %dma_start3A_18 = tpu.memref_slice %arg2[%dma_start3A_16, %dma_start3A_17] : memref<520x128xf32, #tpu.memory_space<hbm>> -> memref<520x128xf32, #tpu.memory_space<hbm>>
    tpu.enqueue_indirect_dma source(%dma_start3A_18 : memref<520x128xf32, #tpu.memory_space<hbm>>) target(%arg15 : memref<88x128xf32, #tpu.memory_space<vmem>>) offsets(%arg11 : memref<88xi32, #tpu.memory_space<vmem>>) semaphore(%arg17 : memref<!tpu.dma_semaphore, #tpu.memory_space<semaphore_mem>>)
    %dma_start3A_19 = arith.constant 0 : i32
    %dma_start3A_20 = tpu.memref_slice %arg6[%add3A_4, %dma_start3A_19] : memref<8448x128xf32, #tpu.memory_space<hbm>> -> memref<88x128xf32, #tpu.memory_space<hbm>>
    %dma_start3A_21 = arith.constant 0 : i32
    %dma_start3A_22 = tpu.memref_slice %arg6[%add3A_4, %dma_start3A_21] : memref<8448x128xf32, #tpu.memory_space<hbm>> -> memref<88x128xf32, #tpu.memory_space<hbm>>
    tpu.enqueue_dma source(%arg13 : memref<88x128xf32, #tpu.memory_space<vmem>>) target(%dma_start3A_22 : memref<88x128xf32, #tpu.memory_space<hbm>>) target_semaphore(%arg18 : memref<!tpu.dma_semaphore, #tpu.memory_space<semaphore_mem>>)
    %dma_wait3A_23 = arith.constant 0 : i32
    %dma_wait3A_24 = arith.constant 0 : i32
    %dma_wait3A_25 = tpu.memref_slice %arg2[%dma_wait3A_23, %dma_wait3A_24] : memref<520x128xf32, #tpu.memory_space<hbm>> -> memref<520x128xf32, #tpu.memory_space<hbm>>
    tpu.wait_indirect_dma semaphore(%arg17 : memref<!tpu.dma_semaphore, #tpu.memory_space<semaphore_mem>>) src(%dma_wait3A_25 : memref<520x128xf32, #tpu.memory_space<hbm>>) dst(%arg14 : memref<88x128xf32, #tpu.memory_space<vmem>>)
    "tpu.region"() ({
      %run_scoped3A = tpu.sem_alloc : memref<!tpu.dma_semaphore, #tpu.memory_space<semaphore_mem>>
      %dma_start3A_133 = tpu.memref_slice %arg3[%add3A_6] : memref<8448xi32, #tpu.memory_space<hbm>> -> memref<88xi32, #tpu.memory_space<hbm>>
      %dma_start3A_134 = tpu.memref_slice %arg3[%add3A_6] : memref<8448xi32, #tpu.memory_space<hbm>> -> memref<88xi32, #tpu.memory_space<hbm>>
      tpu.enqueue_dma source(%dma_start3A_134 : memref<88xi32, #tpu.memory_space<hbm>>) target(%arg12 : memref<88xi32, #tpu.memory_space<vmem>>) target_semaphore(%run_scoped3A : memref<!tpu.dma_semaphore, #tpu.memory_space<semaphore_mem>>)
      %dma_wait3A_135 = tpu.memref_slice %arg3[%add3A_6] : memref<8448xi32, #tpu.memory_space<hbm>> -> memref<88xi32, #tpu.memory_space<hbm>>
      %dma_wait3A_136 = tpu.memref_slice %arg3[%add3A_6] : memref<8448xi32, #tpu.memory_space<hbm>> -> memref<88xi32, #tpu.memory_space<hbm>>
      tpu.wait_dma2 semaphore(%run_scoped3A : memref<!tpu.dma_semaphore, #tpu.memory_space<semaphore_mem>>) src(%dma_wait3A_136 : memref<88xi32, #tpu.memory_space<hbm>>) dst(%arg12 : memref<88xi32, #tpu.memory_space<vmem>>)
      tpu.yield
    }) : () -> ()
    %dma_start3A_26 = arith.constant 0 : i32
    %dma_start3A_27 = arith.constant 0 : i32
    %dma_start3A_28 = tpu.memref_slice %arg2[%dma_start3A_26, %dma_start3A_27] : memref<520x128xf32, #tpu.memory_space<hbm>> -> memref<520x128xf32, #tpu.memory_space<hbm>>
    tpu.enqueue_indirect_dma source(%dma_start3A_28 : memref<520x128xf32, #tpu.memory_space<hbm>>) target(%arg16 : memref<88x128xf32, #tpu.memory_space<vmem>>) offsets(%arg12 : memref<88xi32, #tpu.memory_space<vmem>>) semaphore(%arg17 : memref<!tpu.dma_semaphore, #tpu.memory_space<semaphore_mem>>)
    %dma_start3A_29 = arith.constant 0 : i32
    %dma_start3A_30 = tpu.memref_slice %arg7[%add3A_4, %dma_start3A_29] : memref<8448x128xf32, #tpu.memory_space<hbm>> -> memref<88x128xf32, #tpu.memory_space<hbm>>
    %dma_start3A_31 = arith.constant 0 : i32
    %dma_start3A_32 = tpu.memref_slice %arg7[%add3A_4, %dma_start3A_31] : memref<8448x128xf32, #tpu.memory_space<hbm>> -> memref<88x128xf32, #tpu.memory_space<hbm>>
    tpu.enqueue_dma source(%arg14 : memref<88x128xf32, #tpu.memory_space<vmem>>) target(%dma_start3A_32 : memref<88x128xf32, #tpu.memory_space<hbm>>) target_semaphore(%arg18 : memref<!tpu.dma_semaphore, #tpu.memory_space<semaphore_mem>>)
    %dma_wait3A_33 = arith.constant 0 : i32
    %dma_wait3A_34 = arith.constant 0 : i32
    %dma_wait3A_35 = tpu.memref_slice %arg2[%dma_wait3A_33, %dma_wait3A_34] : memref<520x128xf32, #tpu.memory_space<hbm>> -> memref<520x128xf32, #tpu.memory_space<hbm>>
    tpu.wait_indirect_dma semaphore(%arg17 : memref<!tpu.dma_semaphore, #tpu.memory_space<semaphore_mem>>) src(%dma_wait3A_35 : memref<520x128xf32, #tpu.memory_space<hbm>>) dst(%arg15 : memref<88x128xf32, #tpu.memory_space<vmem>>)
    %dma_wait3A_36 = arith.constant 0 : i32
    %dma_wait3A_37 = tpu.memref_slice %arg6[%add3A_4, %dma_wait3A_36] : memref<8448x128xf32, #tpu.memory_space<hbm>> -> memref<88x128xf32, #tpu.memory_space<hbm>>
    %dma_wait3A_38 = arith.constant 0 : i32
    %dma_wait3A_39 = tpu.memref_slice %arg6[%add3A_4, %dma_wait3A_38] : memref<8448x128xf32, #tpu.memory_space<hbm>> -> memref<88x128xf32, #tpu.memory_space<hbm>>
    tpu.wait_dma2 semaphore(%arg18 : memref<!tpu.dma_semaphore, #tpu.memory_space<semaphore_mem>>) src(%arg13 : memref<88x128xf32, #tpu.memory_space<vmem>>) dst(%dma_wait3A_39 : memref<88x128xf32, #tpu.memory_space<hbm>>)
    "tpu.region"() ({
      %run_scoped3A = tpu.sem_alloc : memref<!tpu.dma_semaphore, #tpu.memory_space<semaphore_mem>>
      %dma_start3A_133 = tpu.memref_slice %arg4[%add3A_6] : memref<8448xi32, #tpu.memory_space<hbm>> -> memref<88xi32, #tpu.memory_space<hbm>>
      %dma_start3A_134 = tpu.memref_slice %arg4[%add3A_6] : memref<8448xi32, #tpu.memory_space<hbm>> -> memref<88xi32, #tpu.memory_space<hbm>>
      tpu.enqueue_dma source(%dma_start3A_134 : memref<88xi32, #tpu.memory_space<hbm>>) target(%arg9 : memref<88xi32, #tpu.memory_space<vmem>>) target_semaphore(%run_scoped3A : memref<!tpu.dma_semaphore, #tpu.memory_space<semaphore_mem>>)
      %dma_wait3A_135 = tpu.memref_slice %arg4[%add3A_6] : memref<8448xi32, #tpu.memory_space<hbm>> -> memref<88xi32, #tpu.memory_space<hbm>>
      %dma_wait3A_136 = tpu.memref_slice %arg4[%add3A_6] : memref<8448xi32, #tpu.memory_space<hbm>> -> memref<88xi32, #tpu.memory_space<hbm>>
      tpu.wait_dma2 semaphore(%run_scoped3A : memref<!tpu.dma_semaphore, #tpu.memory_space<semaphore_mem>>) src(%dma_wait3A_136 : memref<88xi32, #tpu.memory_space<hbm>>) dst(%arg9 : memref<88xi32, #tpu.memory_space<vmem>>)
      tpu.yield
    }) : () -> ()
    %dma_start3A_40 = arith.constant 0 : i32
    %dma_start3A_41 = arith.constant 0 : i32
    %dma_start3A_42 = tpu.memref_slice %arg2[%dma_start3A_40, %dma_start3A_41] : memref<520x128xf32, #tpu.memory_space<hbm>> -> memref<520x128xf32, #tpu.memory_space<hbm>>
    tpu.enqueue_indirect_dma source(%dma_start3A_42 : memref<520x128xf32, #tpu.memory_space<hbm>>) target(%arg13 : memref<88x128xf32, #tpu.memory_space<vmem>>) offsets(%arg9 : memref<88xi32, #tpu.memory_space<vmem>>) semaphore(%arg17 : memref<!tpu.dma_semaphore, #tpu.memory_space<semaphore_mem>>)
    %dma_start3A_43 = arith.constant 0 : i32
    %dma_start3A_44 = tpu.memref_slice %arg8[%add3A_4, %dma_start3A_43] : memref<8448x128xf32, #tpu.memory_space<hbm>> -> memref<88x128xf32, #tpu.memory_space<hbm>>
    %dma_start3A_45 = arith.constant 0 : i32
    %dma_start3A_46 = tpu.memref_slice %arg8[%add3A_4, %dma_start3A_45] : memref<8448x128xf32, #tpu.memory_space<hbm>> -> memref<88x128xf32, #tpu.memory_space<hbm>>
    tpu.enqueue_dma source(%arg15 : memref<88x128xf32, #tpu.memory_space<vmem>>) target(%dma_start3A_46 : memref<88x128xf32, #tpu.memory_space<hbm>>) target_semaphore(%arg18 : memref<!tpu.dma_semaphore, #tpu.memory_space<semaphore_mem>>)
    %dma_wait3A_47 = arith.constant 0 : i32
    %dma_wait3A_48 = arith.constant 0 : i32
    %dma_wait3A_49 = tpu.memref_slice %arg2[%dma_wait3A_47, %dma_wait3A_48] : memref<520x128xf32, #tpu.memory_space<hbm>> -> memref<520x128xf32, #tpu.memory_space<hbm>>
    tpu.wait_indirect_dma semaphore(%arg17 : memref<!tpu.dma_semaphore, #tpu.memory_space<semaphore_mem>>) src(%dma_wait3A_49 : memref<520x128xf32, #tpu.memory_space<hbm>>) dst(%arg16 : memref<88x128xf32, #tpu.memory_space<vmem>>)
    %dma_wait3A_50 = arith.constant 0 : i32
    %dma_wait3A_51 = tpu.memref_slice %arg7[%add3A_4, %dma_wait3A_50] : memref<8448x128xf32, #tpu.memory_space<hbm>> -> memref<88x128xf32, #tpu.memory_space<hbm>>
    %dma_wait3A_52 = arith.constant 0 : i32
    %dma_wait3A_53 = tpu.memref_slice %arg7[%add3A_4, %dma_wait3A_52] : memref<8448x128xf32, #tpu.memory_space<hbm>> -> memref<88x128xf32, #tpu.memory_space<hbm>>
    tpu.wait_dma2 semaphore(%arg18 : memref<!tpu.dma_semaphore, #tpu.memory_space<semaphore_mem>>) src(%arg14 : memref<88x128xf32, #tpu.memory_space<vmem>>) dst(%dma_wait3A_53 : memref<88x128xf32, #tpu.memory_space<hbm>>)
    "tpu.region"() ({
      %run_scoped3A = tpu.sem_alloc : memref<!tpu.dma_semaphore, #tpu.memory_space<semaphore_mem>>
      %dma_start3A_133 = tpu.memref_slice %arg5[%add3A_6] : memref<8448xi32, #tpu.memory_space<hbm>> -> memref<88xi32, #tpu.memory_space<hbm>>
      %dma_start3A_134 = tpu.memref_slice %arg5[%add3A_6] : memref<8448xi32, #tpu.memory_space<hbm>> -> memref<88xi32, #tpu.memory_space<hbm>>
      tpu.enqueue_dma source(%dma_start3A_134 : memref<88xi32, #tpu.memory_space<hbm>>) target(%arg10 : memref<88xi32, #tpu.memory_space<vmem>>) target_semaphore(%run_scoped3A : memref<!tpu.dma_semaphore, #tpu.memory_space<semaphore_mem>>)
      %dma_wait3A_135 = tpu.memref_slice %arg5[%add3A_6] : memref<8448xi32, #tpu.memory_space<hbm>> -> memref<88xi32, #tpu.memory_space<hbm>>
      %dma_wait3A_136 = tpu.memref_slice %arg5[%add3A_6] : memref<8448xi32, #tpu.memory_space<hbm>> -> memref<88xi32, #tpu.memory_space<hbm>>
      tpu.wait_dma2 semaphore(%run_scoped3A : memref<!tpu.dma_semaphore, #tpu.memory_space<semaphore_mem>>) src(%dma_wait3A_136 : memref<88xi32, #tpu.memory_space<hbm>>) dst(%arg10 : memref<88xi32, #tpu.memory_space<vmem>>)
      tpu.yield
    }) : () -> ()
    %dma_start3A_54 = arith.constant 0 : i32
    %dma_start3A_55 = arith.constant 0 : i32
    %dma_start3A_56 = tpu.memref_slice %arg2[%dma_start3A_54, %dma_start3A_55] : memref<520x128xf32, #tpu.memory_space<hbm>> -> memref<520x128xf32, #tpu.memory_space<hbm>>
    tpu.enqueue_indirect_dma source(%dma_start3A_56 : memref<520x128xf32, #tpu.memory_space<hbm>>) target(%arg14 : memref<88x128xf32, #tpu.memory_space<vmem>>) offsets(%arg10 : memref<88xi32, #tpu.memory_space<vmem>>) semaphore(%arg17 : memref<!tpu.dma_semaphore, #tpu.memory_space<semaphore_mem>>)
    %dma_start3A_57 = arith.constant 0 : i32
    %dma_start3A_58 = tpu.memref_slice %arg6[%add3A_6, %dma_start3A_57] : memref<8448x128xf32, #tpu.memory_space<hbm>> -> memref<88x128xf32, #tpu.memory_space<hbm>>
    %dma_start3A_59 = arith.constant 0 : i32
    %dma_start3A_60 = tpu.memref_slice %arg6[%add3A_6, %dma_start3A_59] : memref<8448x128xf32, #tpu.memory_space<hbm>> -> memref<88x128xf32, #tpu.memory_space<hbm>>
    tpu.enqueue_dma source(%arg16 : memref<88x128xf32, #tpu.memory_space<vmem>>) target(%dma_start3A_60 : memref<88x128xf32, #tpu.memory_space<hbm>>) target_semaphore(%arg18 : memref<!tpu.dma_semaphore, #tpu.memory_space<semaphore_mem>>)
    %dma_wait3A_61 = arith.constant 0 : i32
    %dma_wait3A_62 = arith.constant 0 : i32
    %dma_wait3A_63 = tpu.memref_slice %arg2[%dma_wait3A_61, %dma_wait3A_62] : memref<520x128xf32, #tpu.memory_space<hbm>> -> memref<520x128xf32, #tpu.memory_space<hbm>>
    tpu.wait_indirect_dma semaphore(%arg17 : memref<!tpu.dma_semaphore, #tpu.memory_space<semaphore_mem>>) src(%dma_wait3A_63 : memref<520x128xf32, #tpu.memory_space<hbm>>) dst(%arg13 : memref<88x128xf32, #tpu.memory_space<vmem>>)
    %dma_wait3A_64 = arith.constant 0 : i32
    %dma_wait3A_65 = tpu.memref_slice %arg8[%add3A_4, %dma_wait3A_64] : memref<8448x128xf32, #tpu.memory_space<hbm>> -> memref<88x128xf32, #tpu.memory_space<hbm>>
    %dma_wait3A_66 = arith.constant 0 : i32
    %dma_wait3A_67 = tpu.memref_slice %arg8[%add3A_4, %dma_wait3A_66] : memref<8448x128xf32, #tpu.memory_space<hbm>> -> memref<88x128xf32, #tpu.memory_space<hbm>>
    tpu.wait_dma2 semaphore(%arg18 : memref<!tpu.dma_semaphore, #tpu.memory_space<semaphore_mem>>) src(%arg15 : memref<88x128xf32, #tpu.memory_space<vmem>>) dst(%dma_wait3A_67 : memref<88x128xf32, #tpu.memory_space<hbm>>)
    "tpu.region"() ({
      %run_scoped3A = tpu.sem_alloc : memref<!tpu.dma_semaphore, #tpu.memory_space<semaphore_mem>>
      %dma_start3A_133 = tpu.memref_slice %arg3[%add3A_8] : memref<8448xi32, #tpu.memory_space<hbm>> -> memref<88xi32, #tpu.memory_space<hbm>>
      %dma_start3A_134 = tpu.memref_slice %arg3[%add3A_8] : memref<8448xi32, #tpu.memory_space<hbm>> -> memref<88xi32, #tpu.memory_space<hbm>>
      tpu.enqueue_dma source(%dma_start3A_134 : memref<88xi32, #tpu.memory_space<hbm>>) target(%arg11 : memref<88xi32, #tpu.memory_space<vmem>>) target_semaphore(%run_scoped3A : memref<!tpu.dma_semaphore, #tpu.memory_space<semaphore_mem>>)
      %dma_wait3A_135 = tpu.memref_slice %arg3[%add3A_8] : memref<8448xi32, #tpu.memory_space<hbm>> -> memref<88xi32, #tpu.memory_space<hbm>>
      %dma_wait3A_136 = tpu.memref_slice %arg3[%add3A_8] : memref<8448xi32, #tpu.memory_space<hbm>> -> memref<88xi32, #tpu.memory_space<hbm>>
      tpu.wait_dma2 semaphore(%run_scoped3A : memref<!tpu.dma_semaphore, #tpu.memory_space<semaphore_mem>>) src(%dma_wait3A_136 : memref<88xi32, #tpu.memory_space<hbm>>) dst(%arg11 : memref<88xi32, #tpu.memory_space<vmem>>)
      tpu.yield
    }) : () -> ()
    %dma_start3A_68 = arith.constant 0 : i32
    %dma_start3A_69 = arith.constant 0 : i32
    %dma_start3A_70 = tpu.memref_slice %arg2[%dma_start3A_68, %dma_start3A_69] : memref<520x128xf32, #tpu.memory_space<hbm>> -> memref<520x128xf32, #tpu.memory_space<hbm>>
    tpu.enqueue_indirect_dma source(%dma_start3A_70 : memref<520x128xf32, #tpu.memory_space<hbm>>) target(%arg15 : memref<88x128xf32, #tpu.memory_space<vmem>>) offsets(%arg11 : memref<88xi32, #tpu.memory_space<vmem>>) semaphore(%arg17 : memref<!tpu.dma_semaphore, #tpu.memory_space<semaphore_mem>>)
    %dma_start3A_71 = arith.constant 0 : i32
    %dma_start3A_72 = tpu.memref_slice %arg7[%add3A_6, %dma_start3A_71] : memref<8448x128xf32, #tpu.memory_space<hbm>> -> memref<88x128xf32, #tpu.memory_space<hbm>>
    %dma_start3A_73 = arith.constant 0 : i32
    %dma_start3A_74 = tpu.memref_slice %arg7[%add3A_6, %dma_start3A_73] : memref<8448x128xf32, #tpu.memory_space<hbm>> -> memref<88x128xf32, #tpu.memory_space<hbm>>
    tpu.enqueue_dma source(%arg13 : memref<88x128xf32, #tpu.memory_space<vmem>>) target(%dma_start3A_74 : memref<88x128xf32, #tpu.memory_space<hbm>>) target_semaphore(%arg18 : memref<!tpu.dma_semaphore, #tpu.memory_space<semaphore_mem>>)
    %dma_wait3A_75 = arith.constant 0 : i32
    %dma_wait3A_76 = arith.constant 0 : i32
    %dma_wait3A_77 = tpu.memref_slice %arg2[%dma_wait3A_75, %dma_wait3A_76] : memref<520x128xf32, #tpu.memory_space<hbm>> -> memref<520x128xf32, #tpu.memory_space<hbm>>
    tpu.wait_indirect_dma semaphore(%arg17 : memref<!tpu.dma_semaphore, #tpu.memory_space<semaphore_mem>>) src(%dma_wait3A_77 : memref<520x128xf32, #tpu.memory_space<hbm>>) dst(%arg14 : memref<88x128xf32, #tpu.memory_space<vmem>>)
    %dma_wait3A_78 = arith.constant 0 : i32
    %dma_wait3A_79 = tpu.memref_slice %arg6[%add3A_6, %dma_wait3A_78] : memref<8448x128xf32, #tpu.memory_space<hbm>> -> memref<88x128xf32, #tpu.memory_space<hbm>>
    %dma_wait3A_80 = arith.constant 0 : i32
    %dma_wait3A_81 = tpu.memref_slice %arg6[%add3A_6, %dma_wait3A_80] : memref<8448x128xf32, #tpu.memory_space<hbm>> -> memref<88x128xf32, #tpu.memory_space<hbm>>
    tpu.wait_dma2 semaphore(%arg18 : memref<!tpu.dma_semaphore, #tpu.memory_space<semaphore_mem>>) src(%arg16 : memref<88x128xf32, #tpu.memory_space<vmem>>) dst(%dma_wait3A_81 : memref<88x128xf32, #tpu.memory_space<hbm>>)
    "tpu.region"() ({
      %run_scoped3A = tpu.sem_alloc : memref<!tpu.dma_semaphore, #tpu.memory_space<semaphore_mem>>
      %dma_start3A_133 = tpu.memref_slice %arg4[%add3A_8] : memref<8448xi32, #tpu.memory_space<hbm>> -> memref<88xi32, #tpu.memory_space<hbm>>
      %dma_start3A_134 = tpu.memref_slice %arg4[%add3A_8] : memref<8448xi32, #tpu.memory_space<hbm>> -> memref<88xi32, #tpu.memory_space<hbm>>
      tpu.enqueue_dma source(%dma_start3A_134 : memref<88xi32, #tpu.memory_space<hbm>>) target(%arg12 : memref<88xi32, #tpu.memory_space<vmem>>) target_semaphore(%run_scoped3A : memref<!tpu.dma_semaphore, #tpu.memory_space<semaphore_mem>>)
      %dma_wait3A_135 = tpu.memref_slice %arg4[%add3A_8] : memref<8448xi32, #tpu.memory_space<hbm>> -> memref<88xi32, #tpu.memory_space<hbm>>
      %dma_wait3A_136 = tpu.memref_slice %arg4[%add3A_8] : memref<8448xi32, #tpu.memory_space<hbm>> -> memref<88xi32, #tpu.memory_space<hbm>>
      tpu.wait_dma2 semaphore(%run_scoped3A : memref<!tpu.dma_semaphore, #tpu.memory_space<semaphore_mem>>) src(%dma_wait3A_136 : memref<88xi32, #tpu.memory_space<hbm>>) dst(%arg12 : memref<88xi32, #tpu.memory_space<vmem>>)
      tpu.yield
    }) : () -> ()
    %dma_start3A_82 = arith.constant 0 : i32
    %dma_start3A_83 = arith.constant 0 : i32
    %dma_start3A_84 = tpu.memref_slice %arg2[%dma_start3A_82, %dma_start3A_83] : memref<520x128xf32, #tpu.memory_space<hbm>> -> memref<520x128xf32, #tpu.memory_space<hbm>>
    tpu.enqueue_indirect_dma source(%dma_start3A_84 : memref<520x128xf32, #tpu.memory_space<hbm>>) target(%arg16 : memref<88x128xf32, #tpu.memory_space<vmem>>) offsets(%arg12 : memref<88xi32, #tpu.memory_space<vmem>>) semaphore(%arg17 : memref<!tpu.dma_semaphore, #tpu.memory_space<semaphore_mem>>)
    %dma_start3A_85 = arith.constant 0 : i32
    %dma_start3A_86 = tpu.memref_slice %arg8[%add3A_6, %dma_start3A_85] : memref<8448x128xf32, #tpu.memory_space<hbm>> -> memref<88x128xf32, #tpu.memory_space<hbm>>
    %dma_start3A_87 = arith.constant 0 : i32
    %dma_start3A_88 = tpu.memref_slice %arg8[%add3A_6, %dma_start3A_87] : memref<8448x128xf32, #tpu.memory_space<hbm>> -> memref<88x128xf32, #tpu.memory_space<hbm>>
    tpu.enqueue_dma source(%arg14 : memref<88x128xf32, #tpu.memory_space<vmem>>) target(%dma_start3A_88 : memref<88x128xf32, #tpu.memory_space<hbm>>) target_semaphore(%arg18 : memref<!tpu.dma_semaphore, #tpu.memory_space<semaphore_mem>>)
    %dma_wait3A_89 = arith.constant 0 : i32
    %dma_wait3A_90 = arith.constant 0 : i32
    %dma_wait3A_91 = tpu.memref_slice %arg2[%dma_wait3A_89, %dma_wait3A_90] : memref<520x128xf32, #tpu.memory_space<hbm>> -> memref<520x128xf32, #tpu.memory_space<hbm>>
    tpu.wait_indirect_dma semaphore(%arg17 : memref<!tpu.dma_semaphore, #tpu.memory_space<semaphore_mem>>) src(%dma_wait3A_91 : memref<520x128xf32, #tpu.memory_space<hbm>>) dst(%arg15 : memref<88x128xf32, #tpu.memory_space<vmem>>)
    %dma_wait3A_92 = arith.constant 0 : i32
    %dma_wait3A_93 = tpu.memref_slice %arg7[%add3A_6, %dma_wait3A_92] : memref<8448x128xf32, #tpu.memory_space<hbm>> -> memref<88x128xf32, #tpu.memory_space<hbm>>
    %dma_wait3A_94 = arith.constant 0 : i32
    %dma_wait3A_95 = tpu.memref_slice %arg7[%add3A_6, %dma_wait3A_94] : memref<8448x128xf32, #tpu.memory_space<hbm>> -> memref<88x128xf32, #tpu.memory_space<hbm>>
    tpu.wait_dma2 semaphore(%arg18 : memref<!tpu.dma_semaphore, #tpu.memory_space<semaphore_mem>>) src(%arg13 : memref<88x128xf32, #tpu.memory_space<vmem>>) dst(%dma_wait3A_95 : memref<88x128xf32, #tpu.memory_space<hbm>>)
    "tpu.region"() ({
      %run_scoped3A = tpu.sem_alloc : memref<!tpu.dma_semaphore, #tpu.memory_space<semaphore_mem>>
      %dma_start3A_133 = tpu.memref_slice %arg5[%add3A_8] : memref<8448xi32, #tpu.memory_space<hbm>> -> memref<88xi32, #tpu.memory_space<hbm>>
      %dma_start3A_134 = tpu.memref_slice %arg5[%add3A_8] : memref<8448xi32, #tpu.memory_space<hbm>> -> memref<88xi32, #tpu.memory_space<hbm>>
      tpu.enqueue_dma source(%dma_start3A_134 : memref<88xi32, #tpu.memory_space<hbm>>) target(%arg9 : memref<88xi32, #tpu.memory_space<vmem>>) target_semaphore(%run_scoped3A : memref<!tpu.dma_semaphore, #tpu.memory_space<semaphore_mem>>)
      %dma_wait3A_135 = tpu.memref_slice %arg5[%add3A_8] : memref<8448xi32, #tpu.memory_space<hbm>> -> memref<88xi32, #tpu.memory_space<hbm>>
      %dma_wait3A_136 = tpu.memref_slice %arg5[%add3A_8] : memref<8448xi32, #tpu.memory_space<hbm>> -> memref<88xi32, #tpu.memory_space<hbm>>
      tpu.wait_dma2 semaphore(%run_scoped3A : memref<!tpu.dma_semaphore, #tpu.memory_space<semaphore_mem>>) src(%dma_wait3A_136 : memref<88xi32, #tpu.memory_space<hbm>>) dst(%arg9 : memref<88xi32, #tpu.memory_space<vmem>>)
      tpu.yield
    }) : () -> ()
    %dma_start3A_96 = arith.constant 0 : i32
    %dma_start3A_97 = arith.constant 0 : i32
    %dma_start3A_98 = tpu.memref_slice %arg2[%dma_start3A_96, %dma_start3A_97] : memref<520x128xf32, #tpu.memory_space<hbm>> -> memref<520x128xf32, #tpu.memory_space<hbm>>
    tpu.enqueue_indirect_dma source(%dma_start3A_98 : memref<520x128xf32, #tpu.memory_space<hbm>>) target(%arg13 : memref<88x128xf32, #tpu.memory_space<vmem>>) offsets(%arg9 : memref<88xi32, #tpu.memory_space<vmem>>) semaphore(%arg17 : memref<!tpu.dma_semaphore, #tpu.memory_space<semaphore_mem>>)
    %dma_start3A_99 = arith.constant 0 : i32
    %dma_start3A_100 = tpu.memref_slice %arg6[%add3A_8, %dma_start3A_99] : memref<8448x128xf32, #tpu.memory_space<hbm>> -> memref<88x128xf32, #tpu.memory_space<hbm>>
    %dma_start3A_101 = arith.constant 0 : i32
    %dma_start3A_102 = tpu.memref_slice %arg6[%add3A_8, %dma_start3A_101] : memref<8448x128xf32, #tpu.memory_space<hbm>> -> memref<88x128xf32, #tpu.memory_space<hbm>>
    tpu.enqueue_dma source(%arg15 : memref<88x128xf32, #tpu.memory_space<vmem>>) target(%dma_start3A_102 : memref<88x128xf32, #tpu.memory_space<hbm>>) target_semaphore(%arg18 : memref<!tpu.dma_semaphore, #tpu.memory_space<semaphore_mem>>)
    %dma_wait3A_103 = arith.constant 0 : i32
    %dma_wait3A_104 = arith.constant 0 : i32
    %dma_wait3A_105 = tpu.memref_slice %arg2[%dma_wait3A_103, %dma_wait3A_104] : memref<520x128xf32, #tpu.memory_space<hbm>> -> memref<520x128xf32, #tpu.memory_space<hbm>>
    tpu.wait_indirect_dma semaphore(%arg17 : memref<!tpu.dma_semaphore, #tpu.memory_space<semaphore_mem>>) src(%dma_wait3A_105 : memref<520x128xf32, #tpu.memory_space<hbm>>) dst(%arg16 : memref<88x128xf32, #tpu.memory_space<vmem>>)
    %dma_wait3A_106 = arith.constant 0 : i32
    %dma_wait3A_107 = tpu.memref_slice %arg8[%add3A_6, %dma_wait3A_106] : memref<8448x128xf32, #tpu.memory_space<hbm>> -> memref<88x128xf32, #tpu.memory_space<hbm>>
    %dma_wait3A_108 = arith.constant 0 : i32
    %dma_wait3A_109 = tpu.memref_slice %arg8[%add3A_6, %dma_wait3A_108] : memref<8448x128xf32, #tpu.memory_space<hbm>> -> memref<88x128xf32, #tpu.memory_space<hbm>>
    tpu.wait_dma2 semaphore(%arg18 : memref<!tpu.dma_semaphore, #tpu.memory_space<semaphore_mem>>) src(%arg14 : memref<88x128xf32, #tpu.memory_space<vmem>>) dst(%dma_wait3A_109 : memref<88x128xf32, #tpu.memory_space<hbm>>)
    %dma_start3A_110 = arith.constant 0 : i32
    %dma_start3A_111 = tpu.memref_slice %arg7[%add3A_8, %dma_start3A_110] : memref<8448x128xf32, #tpu.memory_space<hbm>> -> memref<88x128xf32, #tpu.memory_space<hbm>>
    %dma_start3A_112 = arith.constant 0 : i32
    %dma_start3A_113 = tpu.memref_slice %arg7[%add3A_8, %dma_start3A_112] : memref<8448x128xf32, #tpu.memory_space<hbm>> -> memref<88x128xf32, #tpu.memory_space<hbm>>
    tpu.enqueue_dma source(%arg16 : memref<88x128xf32, #tpu.memory_space<vmem>>) target(%dma_start3A_113 : memref<88x128xf32, #tpu.memory_space<hbm>>) target_semaphore(%arg18 : memref<!tpu.dma_semaphore, #tpu.memory_space<semaphore_mem>>)
    %dma_wait3A_114 = arith.constant 0 : i32
    %dma_wait3A_115 = arith.constant 0 : i32
    %dma_wait3A_116 = tpu.memref_slice %arg2[%dma_wait3A_114, %dma_wait3A_115] : memref<520x128xf32, #tpu.memory_space<hbm>> -> memref<520x128xf32, #tpu.memory_space<hbm>>
    tpu.wait_indirect_dma semaphore(%arg17 : memref<!tpu.dma_semaphore, #tpu.memory_space<semaphore_mem>>) src(%dma_wait3A_116 : memref<520x128xf32, #tpu.memory_space<hbm>>) dst(%arg13 : memref<88x128xf32, #tpu.memory_space<vmem>>)
    %dma_wait3A_117 = arith.constant 0 : i32
    %dma_wait3A_118 = tpu.memref_slice %arg6[%add3A_8, %dma_wait3A_117] : memref<8448x128xf32, #tpu.memory_space<hbm>> -> memref<88x128xf32, #tpu.memory_space<hbm>>
    %dma_wait3A_119 = arith.constant 0 : i32
    %dma_wait3A_120 = tpu.memref_slice %arg6[%add3A_8, %dma_wait3A_119] : memref<8448x128xf32, #tpu.memory_space<hbm>> -> memref<88x128xf32, #tpu.memory_space<hbm>>
    tpu.wait_dma2 semaphore(%arg18 : memref<!tpu.dma_semaphore, #tpu.memory_space<semaphore_mem>>) src(%arg15 : memref<88x128xf32, #tpu.memory_space<vmem>>) dst(%dma_wait3A_120 : memref<88x128xf32, #tpu.memory_space<hbm>>)
    %dma_start3A_121 = arith.constant 0 : i32
    %dma_start3A_122 = tpu.memref_slice %arg8[%add3A_8, %dma_start3A_121] : memref<8448x128xf32, #tpu.memory_space<hbm>> -> memref<88x128xf32, #tpu.memory_space<hbm>>
    %dma_start3A_123 = arith.constant 0 : i32
    %dma_start3A_124 = tpu.memref_slice %arg8[%add3A_8, %dma_start3A_123] : memref<8448x128xf32, #tpu.memory_space<hbm>> -> memref<88x128xf32, #tpu.memory_space<hbm>>
    tpu.enqueue_dma source(%arg13 : memref<88x128xf32, #tpu.memory_space<vmem>>) target(%dma_start3A_124 : memref<88x128xf32, #tpu.memory_space<hbm>>) target_semaphore(%arg18 : memref<!tpu.dma_semaphore, #tpu.memory_space<semaphore_mem>>)
    %dma_wait3A_125 = arith.constant 0 : i32
    %dma_wait3A_126 = tpu.memref_slice %arg7[%add3A_8, %dma_wait3A_125] : memref<8448x128xf32, #tpu.memory_space<hbm>> -> memref<88x128xf32, #tpu.memory_space<hbm>>
    %dma_wait3A_127 = arith.constant 0 : i32
    %dma_wait3A_128 = tpu.memref_slice %arg7[%add3A_8, %dma_wait3A_127] : memref<8448x128xf32, #tpu.memory_space<hbm>> -> memref<88x128xf32, #tpu.memory_space<hbm>>
    tpu.wait_dma2 semaphore(%arg18 : memref<!tpu.dma_semaphore, #tpu.memory_space<semaphore_mem>>) src(%arg16 : memref<88x128xf32, #tpu.memory_space<vmem>>) dst(%dma_wait3A_128 : memref<88x128xf32, #tpu.memory_space<hbm>>)
    %dma_wait3A_129 = arith.constant 0 : i32
    %dma_wait3A_130 = tpu.memref_slice %arg8[%add3A_8, %dma_wait3A_129] : memref<8448x128xf32, #tpu.memory_space<hbm>> -> memref<88x128xf32, #tpu.memory_space<hbm>>
    %dma_wait3A_131 = arith.constant 0 : i32
    %dma_wait3A_132 = tpu.memref_slice %arg8[%add3A_8, %dma_wait3A_131] : memref<8448x128xf32, #tpu.memory_space<hbm>> -> memref<88x128xf32, #tpu.memory_space<hbm>>
    tpu.wait_dma2 semaphore(%arg18 : memref<!tpu.dma_semaphore, #tpu.memory_space<semaphore_mem>>) src(%arg13 : memref<88x128xf32, #tpu.memory_space<vmem>>) dst(%dma_wait3A_132 : memref<88x128xf32, #tpu.memory_space<hbm>>)
    return
  }
}

module attributes {stable_mosaic.version = 14 : i64} {
  func.func @_prep_body(%arg0: memref<520x128xf32, #tpu.memory_space<vmem>>, %arg1: memref<520x128xf32, #tpu.memory_space<vmem>>) attributes {dimension_semantics = [], scalar_prefetch = 0 : i64, scratch_operands = 0 : i64, tpu.core_type = #tpu.core_type<tc>} {
    %iota3A = tpu.iota {dimensions = array<i32: 0>} : vector<520x1xi32>
    %ne3A = arith.constant 0 : i32
    %ne3A_0 = vector.broadcast %ne3A : i32 to vector<520x1xi32>
    %ne3A_1 = arith.cmpi ne, %iota3A, %ne3A_0 : vector<520x1xi32>
    %get3A = arith.constant 0 : index
    %get3A_2 = arith.constant 0 : index
    %get3A_3 = vector.load %arg0[%get3A, %get3A_2] : memref<520x128xf32, #tpu.memory_space<vmem>>, vector<520x128xf32>
    %jit3A = arith.constant 0.000000e+00 : f32
    %broadcast_in_dim3A = vector.shape_cast %ne3A_1 : vector<520x1xi1> to vector<520x1xi1>
    %broadcast_in_dim3A_4 = vector.broadcast %broadcast_in_dim3A : vector<520x1xi1> to vector<520x128xi1>
    %broadcast_in_dim3A_5 = vector.broadcast %jit3A : f32 to vector<520x128xf32>
    %select_n3A = arith.select %broadcast_in_dim3A_4, %get3A_3, %broadcast_in_dim3A_5 : vector<520x128xi1>, vector<520x128xf32>
    %swap3A = arith.constant 0 : index
    %swap3A_6 = arith.constant 0 : index
    %swap3A_7 = vector.load %arg1[%swap3A, %swap3A_6] : memref<520x128xf32, #tpu.memory_space<vmem>>, vector<520x128xf32>
    tpu.vector_store %arg1[%swap3A, %swap3A_6], %select_n3A {strides = array<i32>} : memref<520x128xf32, #tpu.memory_space<vmem>>, vector<520x128xf32>,
    return
  }
}

module attributes {stable_mosaic.version = 14 : i64} {
  func.func @_rec_body(%arg0: i32, %arg1: memref<128x16x128xf32, #tpu.memory_space<vmem>>, %arg2: memref<128x16x128xf32, #tpu.memory_space<vmem>>, %arg3: memref<128x16x128xf32, #tpu.memory_space<vmem>>, %arg4: memref<128x1024xf32, #tpu.memory_space<vmem>>, %arg5: memref<1x1x512xf32, #tpu.memory_space<vmem>>, %arg6: memref<1x1x512xf32, #tpu.memory_space<vmem>>, %arg7: memref<128x512xbf16, #tpu.memory_space<vmem>>, %arg8: memref<128x512xbf16, #tpu.memory_space<vmem>>, %arg9: memref<128x16x256xf32, #tpu.memory_space<vmem>>, %arg10: memref<16x256xf32, #tpu.memory_space<vmem>>, %arg11: memref<16x256xf32, #tpu.memory_space<vmem>>, %arg12: memref<128x16x512xf32, #tpu.memory_space<vmem>>, %arg13: memref<128x16x512xf32, #tpu.memory_space<vmem>>) attributes {dimension_semantics = [#tpu.dimension_semantics<arbitrary>], iteration_bounds = array<i64: 5>, scalar_prefetch = 0 : i64, scratch_operands = 4 : i64, tpu.core_type = #tpu.core_type<tc>, window_params = [{transform_indices = @transform_0, window_bounds = array<i64: 128, 16, 128>}, {transform_indices = @transform_1, window_bounds = array<i64: 128, 16, 128>}, {transform_indices = @transform_2, window_bounds = array<i64: 128, 16, 128>}, {pipeline_mode = #tpu.pipeline_mode<synchronous>, transform_indices = @transform_3, window_bounds = array<i64: 128, 1024>}, {pipeline_mode = #tpu.pipeline_mode<synchronous>, transform_indices = @transform_4, window_bounds = array<i64: 1, 1, 512>}, {pipeline_mode = #tpu.pipeline_mode<synchronous>, transform_indices = @transform_5, window_bounds = array<i64: 1, 1, 512>}, {pipeline_mode = #tpu.pipeline_mode<synchronous>, transform_indices = @transform_6, window_bounds = array<i64: 128, 512>}, {pipeline_mode = #tpu.pipeline_mode<synchronous>, transform_indices = @transform_7, window_bounds = array<i64: 128, 512>}, {transform_indices = @transform_8, window_bounds = array<i64: 128, 16, 256>}]} {
    %eq3A = arith.constant 0 : i32
    %eq3A_0 = arith.cmpi eq, %arg0, %eq3A : i32
    %convert_element_type3A = arith.extui %eq3A_0 : i1 to i32
    %cond3A = arith.constant 0 : i32
    %cond3A_1 = arith.cmpi ne, %convert_element_type3A, %cond3A : i32
    scf.if %cond3A_1 {
      %broadcast_in_dim3A = arith.constant 0.000000e+00 : f32
      %broadcast_in_dim3A_194 = vector.broadcast %broadcast_in_dim3A : f32 to vector<16x256xf32>
      %swap3A_195 = arith.constant 0 : index
      %swap3A_196 = arith.constant 0 : index
      %swap3A_197 = vector.load %arg10[%swap3A_195, %swap3A_196] : memref<16x256xf32, #tpu.memory_space<vmem>>, vector<16x256xf32>
      tpu.vector_store %arg10[%swap3A_195, %swap3A_196], %broadcast_in_dim3A_194 {strides = array<i32>} : memref<16x256xf32, #tpu.memory_space<vmem>>, vector<16x256xf32>,
      %broadcast_in_dim3A_198 = arith.constant 0.000000e+00 : f32
      %broadcast_in_dim3A_199 = vector.broadcast %broadcast_in_dim3A_198 : f32 to vector<16x256xf32>
      %swap3A_200 = arith.constant 0 : index
      %swap3A_201 = arith.constant 0 : index
      %swap3A_202 = vector.load %arg11[%swap3A_200, %swap3A_201] : memref<16x256xf32, #tpu.memory_space<vmem>>, vector<16x256xf32>
      tpu.vector_store %arg11[%swap3A_200, %swap3A_201], %broadcast_in_dim3A_199 {strides = array<i32>} : memref<16x256xf32, #tpu.memory_space<vmem>>, vector<16x256xf32>,
    } else {
    }
    %get3A = arith.constant 0 : index
    %get3A_2 = arith.constant 0 : index
    %get3A_3 = arith.constant 0 : index
    %get3A_4 = vector.load %arg1[%get3A, %get3A_2, %get3A_3] : memref<128x16x128xf32, #tpu.memory_space<vmem>>, vector<128x16x128xf32>
    %reshape3A = vector.shape_cast %get3A_4 : vector<128x16x128xf32> to vector<2048x128xf32>
    %get3A_5 = arith.constant 0 : index
    %get3A_6 = arith.constant 0 : index
    %get3A_7 = vector.load %arg4[%get3A_5, %get3A_6] : memref<128x1024xf32, #tpu.memory_space<vmem>>, vector<128x256xf32>
    %dot_general3A = arith.constant dense<0.000000e+00> : vector<2048x256xf32>
    %dot_general3A_8 = tpu.matmul %reshape3A, %get3A_7, %dot_general3A {dimension_numbers = #tpu.dot_dimension_numbers<[1], [0], [0], [1], [0, 0, 1, 1], [], []>, transpose_lhs_hint = false} : vector<2048x128xf32>, vector<128x256xf32>, vector<2048x256xf32> -> vector<2048x256xf32>
    %slice3A = vector.extract_strided_slice %dot_general3A_8 {offsets = [0, 0], sizes = [2048, 64], strides = [1, 1]} : vector<2048x256xf32> to vector<2048x64xf32>
    %reshape3A_9 = vector.shape_cast %slice3A : vector<2048x64xf32> to vector<128x16x64xf32>
    %get3A_10 = arith.constant 0 : index
    %get3A_11 = arith.constant 0 : index
    %get3A_12 = arith.constant 0 : index
    %get3A_13 = vector.load %arg5[%get3A_10, %get3A_11, %get3A_12] : memref<1x1x512xf32, #tpu.memory_space<vmem>>, vector<1x1x64xf32>
    %add3A = vector.broadcast %get3A_13 : vector<1x1x64xf32> to vector<128x16x64xf32>
    %add3A_14 = arith.addf %reshape3A_9, %add3A : vector<128x16x64xf32>
    %swap3A = arith.constant 0 : index
    %swap3A_15 = arith.constant 0 : index
    %swap3A_16 = arith.constant 0 : index
    %swap3A_17 = vector.load %arg12[%swap3A, %swap3A_15, %swap3A_16] : memref<128x16x512xf32, #tpu.memory_space<vmem>>, vector<128x16x64xf32>
    tpu.vector_store %arg12[%swap3A, %swap3A_15, %swap3A_16], %add3A_14 {strides = array<i32>} : memref<128x16x512xf32, #tpu.memory_space<vmem>>, vector<128x16x64xf32>,
    %slice3A_18 = vector.extract_strided_slice %dot_general3A_8 {offsets = [0, 64], sizes = [2048, 64], strides = [1, 1]} : vector<2048x256xf32> to vector<2048x64xf32>
    %reshape3A_19 = vector.shape_cast %slice3A_18 : vector<2048x64xf32> to vector<128x16x64xf32>
    %get3A_20 = arith.constant 0 : index
    %get3A_21 = arith.constant 0 : index
    %get3A_22 = arith.constant 128 : index
    %get3A_23 = vector.load %arg5[%get3A_20, %get3A_21, %get3A_22] : memref<1x1x512xf32, #tpu.memory_space<vmem>>, vector<1x1x64xf32>
    %add3A_24 = vector.broadcast %get3A_23 : vector<1x1x64xf32> to vector<128x16x64xf32>
    %add3A_25 = arith.addf %reshape3A_19, %add3A_24 : vector<128x16x64xf32>
    %swap3A_26 = arith.constant 0 : index
    %swap3A_27 = arith.constant 0 : index
    %swap3A_28 = arith.constant 128 : index
    %swap3A_29 = vector.load %arg12[%swap3A_26, %swap3A_27, %swap3A_28] : memref<128x16x512xf32, #tpu.memory_space<vmem>>, vector<128x16x64xf32>
    tpu.vector_store %arg12[%swap3A_26, %swap3A_27, %swap3A_28], %add3A_25 {strides = array<i32>} : memref<128x16x512xf32, #tpu.memory_space<vmem>>, vector<128x16x64xf32>,
    %slice3A_30 = vector.extract_strided_slice %dot_general3A_8 {offsets = [0, 128], sizes = [2048, 64], strides = [1, 1]} : vector<2048x256xf32> to vector<2048x64xf32>
    %reshape3A_31 = vector.shape_cast %slice3A_30 : vector<2048x64xf32> to vector<128x16x64xf32>
    %get3A_32 = arith.constant 0 : index
    %get3A_33 = arith.constant 0 : index
    %get3A_34 = arith.constant 256 : index
    %get3A_35 = vector.load %arg5[%get3A_32, %get3A_33, %get3A_34] : memref<1x1x512xf32, #tpu.memory_space<vmem>>, vector<1x1x64xf32>
    %add3A_36 = vector.broadcast %get3A_35 : vector<1x1x64xf32> to vector<128x16x64xf32>
    %add3A_37 = arith.addf %reshape3A_31, %add3A_36 : vector<128x16x64xf32>
    %swap3A_38 = arith.constant 0 : index
    %swap3A_39 = arith.constant 0 : index
    %swap3A_40 = arith.constant 256 : index
    %swap3A_41 = vector.load %arg12[%swap3A_38, %swap3A_39, %swap3A_40] : memref<128x16x512xf32, #tpu.memory_space<vmem>>, vector<128x16x64xf32>
    tpu.vector_store %arg12[%swap3A_38, %swap3A_39, %swap3A_40], %add3A_37 {strides = array<i32>} : memref<128x16x512xf32, #tpu.memory_space<vmem>>, vector<128x16x64xf32>,
    %slice3A_42 = vector.extract_strided_slice %dot_general3A_8 {offsets = [0, 192], sizes = [2048, 64], strides = [1, 1]} : vector<2048x256xf32> to vector<2048x64xf32>
    %reshape3A_43 = vector.shape_cast %slice3A_42 : vector<2048x64xf32> to vector<128x16x64xf32>
    %get3A_44 = arith.constant 0 : index
    %get3A_45 = arith.constant 0 : index
    %get3A_46 = arith.constant 384 : index
    %get3A_47 = vector.load %arg5[%get3A_44, %get3A_45, %get3A_46] : memref<1x1x512xf32, #tpu.memory_space<vmem>>, vector<1x1x64xf32>
    %add3A_48 = vector.broadcast %get3A_47 : vector<1x1x64xf32> to vector<128x16x64xf32>
    %add3A_49 = arith.addf %reshape3A_43, %add3A_48 : vector<128x16x64xf32>
    %swap3A_50 = arith.constant 0 : index
    %swap3A_51 = arith.constant 0 : index
    %swap3A_52 = arith.constant 384 : index
    %swap3A_53 = vector.load %arg12[%swap3A_50, %swap3A_51, %swap3A_52] : memref<128x16x512xf32, #tpu.memory_space<vmem>>, vector<128x16x64xf32>
    tpu.vector_store %arg12[%swap3A_50, %swap3A_51, %swap3A_52], %add3A_49 {strides = array<i32>} : memref<128x16x512xf32, #tpu.memory_space<vmem>>, vector<128x16x64xf32>,
    %get3A_54 = arith.constant 0 : index
    %get3A_55 = arith.constant 0 : index
    %get3A_56 = arith.constant 0 : index
    %get3A_57 = vector.load %arg2[%get3A_54, %get3A_55, %get3A_56] : memref<128x16x128xf32, #tpu.memory_space<vmem>>, vector<128x16x128xf32>
    %reshape3A_58 = vector.shape_cast %get3A_57 : vector<128x16x128xf32> to vector<2048x128xf32>
    %get3A_59 = arith.constant 0 : index
    %get3A_60 = arith.constant 256 : index
    %get3A_61 = vector.load %arg4[%get3A_59, %get3A_60] : memref<128x1024xf32, #tpu.memory_space<vmem>>, vector<128x256xf32>
    %dot_general3A_62 = arith.constant dense<0.000000e+00> : vector<2048x256xf32>
    %dot_general3A_63 = tpu.matmul %reshape3A_58, %get3A_61, %dot_general3A_62 {dimension_numbers = #tpu.dot_dimension_numbers<[1], [0], [0], [1], [0, 0, 1, 1], [], []>, transpose_lhs_hint = false} : vector<2048x128xf32>, vector<128x256xf32>, vector<2048x256xf32> -> vector<2048x256xf32>
    %slice3A_64 = vector.extract_strided_slice %dot_general3A_63 {offsets = [0, 0], sizes = [2048, 64], strides = [1, 1]} : vector<2048x256xf32> to vector<2048x64xf32>
    %reshape3A_65 = vector.shape_cast %slice3A_64 : vector<2048x64xf32> to vector<128x16x64xf32>
    %get3A_66 = arith.constant 0 : index
    %get3A_67 = arith.constant 0 : index
    %get3A_68 = arith.constant 64 : index
    %get3A_69 = vector.load %arg5[%get3A_66, %get3A_67, %get3A_68] : memref<1x1x512xf32, #tpu.memory_space<vmem>>, vector<1x1x64xf32>
    %add3A_70 = vector.broadcast %get3A_69 : vector<1x1x64xf32> to vector<128x16x64xf32>
    %add3A_71 = arith.addf %reshape3A_65, %add3A_70 : vector<128x16x64xf32>
    %swap3A_72 = arith.constant 0 : index
    %swap3A_73 = arith.constant 0 : index
    %swap3A_74 = arith.constant 64 : index
    %swap3A_75 = vector.load %arg12[%swap3A_72, %swap3A_73, %swap3A_74] : memref<128x16x512xf32, #tpu.memory_space<vmem>>, vector<128x16x64xf32>
    tpu.vector_store %arg12[%swap3A_72, %swap3A_73, %swap3A_74], %add3A_71 {strides = array<i32>} : memref<128x16x512xf32, #tpu.memory_space<vmem>>, vector<128x16x64xf32>,
    %slice3A_76 = vector.extract_strided_slice %dot_general3A_63 {offsets = [0, 64], sizes = [2048, 64], strides = [1, 1]} : vector<2048x256xf32> to vector<2048x64xf32>
    %reshape3A_77 = vector.shape_cast %slice3A_76 : vector<2048x64xf32> to vector<128x16x64xf32>
    %get3A_78 = arith.constant 0 : index
    %get3A_79 = arith.constant 0 : index
    %get3A_80 = arith.constant 192 : index
    %get3A_81 = vector.load %arg5[%get3A_78, %get3A_79, %get3A_80] : memref<1x1x512xf32, #tpu.memory_space<vmem>>, vector<1x1x64xf32>
    %add3A_82 = vector.broadcast %get3A_81 : vector<1x1x64xf32> to vector<128x16x64xf32>
    %add3A_83 = arith.addf %reshape3A_77, %add3A_82 : vector<128x16x64xf32>
    %swap3A_84 = arith.constant 0 : index
    %swap3A_85 = arith.constant 0 : index
    %swap3A_86 = arith.constant 192 : index
    %swap3A_87 = vector.load %arg12[%swap3A_84, %swap3A_85, %swap3A_86] : memref<128x16x512xf32, #tpu.memory_space<vmem>>, vector<128x16x64xf32>
    tpu.vector_store %arg12[%swap3A_84, %swap3A_85, %swap3A_86], %add3A_83 {strides = array<i32>} : memref<128x16x512xf32, #tpu.memory_space<vmem>>, vector<128x16x64xf32>,
    %slice3A_88 = vector.extract_strided_slice %dot_general3A_63 {offsets = [0, 128], sizes = [2048, 64], strides = [1, 1]} : vector<2048x256xf32> to vector<2048x64xf32>
    %reshape3A_89 = vector.shape_cast %slice3A_88 : vector<2048x64xf32> to vector<128x16x64xf32>
    %get3A_90 = arith.constant 0 : index
    %get3A_91 = arith.constant 0 : index
    %get3A_92 = arith.constant 320 : index
    %get3A_93 = vector.load %arg5[%get3A_90, %get3A_91, %get3A_92] : memref<1x1x512xf32, #tpu.memory_space<vmem>>, vector<1x1x64xf32>
    %add3A_94 = vector.broadcast %get3A_93 : vector<1x1x64xf32> to vector<128x16x64xf32>
    %add3A_95 = arith.addf %reshape3A_89, %add3A_94 : vector<128x16x64xf32>
    %swap3A_96 = arith.constant 0 : index
    %swap3A_97 = arith.constant 0 : index
    %swap3A_98 = arith.constant 320 : index
    %swap3A_99 = vector.load %arg12[%swap3A_96, %swap3A_97, %swap3A_98] : memref<128x16x512xf32, #tpu.memory_space<vmem>>, vector<128x16x64xf32>
    tpu.vector_store %arg12[%swap3A_96, %swap3A_97, %swap3A_98], %add3A_95 {strides = array<i32>} : memref<128x16x512xf32, #tpu.memory_space<vmem>>, vector<128x16x64xf32>,
    %slice3A_100 = vector.extract_strided_slice %dot_general3A_63 {offsets = [0, 192], sizes = [2048, 64], strides = [1, 1]} : vector<2048x256xf32> to vector<2048x64xf32>
    %reshape3A_101 = vector.shape_cast %slice3A_100 : vector<2048x64xf32> to vector<128x16x64xf32>
    %get3A_102 = arith.constant 0 : index
    %get3A_103 = arith.constant 0 : index
    %get3A_104 = arith.constant 448 : index
    %get3A_105 = vector.load %arg5[%get3A_102, %get3A_103, %get3A_104] : memref<1x1x512xf32, #tpu.memory_space<vmem>>, vector<1x1x64xf32>
    %add3A_106 = vector.broadcast %get3A_105 : vector<1x1x64xf32> to vector<128x16x64xf32>
    %add3A_107 = arith.addf %reshape3A_101, %add3A_106 : vector<128x16x64xf32>
    %swap3A_108 = arith.constant 0 : index
    %swap3A_109 = arith.constant 0 : index
    %swap3A_110 = arith.constant 448 : index
    %swap3A_111 = vector.load %arg12[%swap3A_108, %swap3A_109, %swap3A_110] : memref<128x16x512xf32, #tpu.memory_space<vmem>>, vector<128x16x64xf32>
    tpu.vector_store %arg12[%swap3A_108, %swap3A_109, %swap3A_110], %add3A_107 {strides = array<i32>} : memref<128x16x512xf32, #tpu.memory_space<vmem>>, vector<128x16x64xf32>,
    %get3A_112 = arith.constant 0 : index
    %get3A_113 = arith.constant 0 : index
    %get3A_114 = arith.constant 0 : index
    %get3A_115 = vector.load %arg3[%get3A_112, %get3A_113, %get3A_114] : memref<128x16x128xf32, #tpu.memory_space<vmem>>, vector<128x16x128xf32>
    %reshape3A_116 = vector.shape_cast %get3A_115 : vector<128x16x128xf32> to vector<2048x128xf32>
    %get3A_117 = arith.constant 0 : index
    %get3A_118 = arith.constant 512 : index
    %get3A_119 = vector.load %arg4[%get3A_117, %get3A_118] : memref<128x1024xf32, #tpu.memory_space<vmem>>, vector<128x512xf32>
    %dot_general3A_120 = arith.constant dense<0.000000e+00> : vector<2048x512xf32>
    %dot_general3A_121 = tpu.matmul %reshape3A_116, %get3A_119, %dot_general3A_120 {dimension_numbers = #tpu.dot_dimension_numbers<[1], [0], [0], [1], [0, 0, 1, 1], [], []>, transpose_lhs_hint = false} : vector<2048x128xf32>, vector<128x512xf32>, vector<2048x512xf32> -> vector<2048x512xf32>
    %get3A_122 = arith.constant 0 : index
    %get3A_123 = arith.constant 0 : index
    %get3A_124 = arith.constant 0 : index
    %get3A_125 = vector.load %arg6[%get3A_122, %get3A_123, %get3A_124] : memref<1x1x512xf32, #tpu.memory_space<vmem>>, vector<1x1x512xf32>
    %get3A_126 = vector.shape_cast %get3A_125 : vector<1x1x512xf32> to vector<1x512xf32>
    %add3A_127 = vector.broadcast %get3A_126 : vector<1x512xf32> to vector<2048x512xf32>
    %add3A_128 = arith.addf %dot_general3A_121, %add3A_127 : vector<2048x512xf32>
    %reshape3A_129 = vector.shape_cast %add3A_128 : vector<2048x512xf32> to vector<128x16x512xf32>
    %swap3A_130 = arith.constant 0 : index
    %swap3A_131 = arith.constant 0 : index
    %swap3A_132 = arith.constant 0 : index
    %swap3A_133 = vector.load %arg13[%swap3A_130, %swap3A_131, %swap3A_132] : memref<128x16x512xf32, #tpu.memory_space<vmem>>, vector<128x16x512xf32>
    tpu.vector_store %arg13[%swap3A_130, %swap3A_131, %swap3A_132], %reshape3A_129 {strides = array<i32>} : memref<128x16x512xf32, #tpu.memory_space<vmem>>, vector<128x16x512xf32>,
    %get3A_134 = arith.constant 0 : index
    %get3A_135 = arith.constant 0 : index
    %get3A_136 = vector.load %arg7[%get3A_134, %get3A_135] : memref<128x512xbf16, #tpu.memory_space<vmem>>, vector<128x512xbf16>
    %get3A_137 = arith.constant 0 : index
    %get3A_138 = arith.constant 0 : index
    %get3A_139 = vector.load %arg8[%get3A_137, %get3A_138] : memref<128x512xbf16, #tpu.memory_space<vmem>>, vector<128x512xbf16>
    %mul3A = arith.constant 128 : i32
    %mul3A_140 = arith.muli %arg0, %mul3A : i32
    %sub3A = arith.constant 514 : i32
    %sub3A_141 = arith.subi %sub3A, %mul3A_140 : i32
    %min3A = arith.constant 128 : i32
    %min3A_142 = arith.minsi %min3A, %sub3A_141 : i32
    %jit3A = arith.constant 2 : i32
    %div3A = arith.divsi %min3A_142, %jit3A : i32
    %sign3A = arith.constant 0 : i32
    %sign3A_143 = arith.cmpi sgt, %min3A_142, %sign3A : i32
    %sign3A_144 = arith.extui %sign3A_143 : i1 to i32
    %sign3A_145 = arith.constant 0 : i32
    %sign3A_146 = arith.cmpi slt, %min3A_142, %sign3A_145 : i32
    %sign3A_147 = arith.extui %sign3A_146 : i1 to i32
    %sign3A_148 = arith.subi %sign3A_144, %sign3A_147 : i32
    %sign3A_149 = arith.constant 0 : i32
    %sign3A_150 = arith.cmpi sgt, %jit3A, %sign3A_149 : i32
    %sign3A_151 = arith.extui %sign3A_150 : i1 to i32
    %sign3A_152 = arith.constant 0 : i32
    %sign3A_153 = arith.cmpi slt, %jit3A, %sign3A_152 : i32
    %sign3A_154 = arith.extui %sign3A_153 : i1 to i32
    %sign3A_155 = arith.subi %sign3A_151, %sign3A_154 : i32
    %ne3A = arith.cmpi ne, %sign3A_148, %sign3A_155 : i32
    %rem3A = arith.remsi %min3A_142, %jit3A : i32
    %ne3A_156 = arith.constant 0 : i32
    %ne3A_157 = arith.cmpi ne, %rem3A, %ne3A_156 : i32
    %and3A = arith.andi %ne3A, %ne3A_157 : i1
    %sub3A_158 = arith.constant 1 : i32
    %sub3A_159 = arith.subi %div3A, %sub3A_158 : i32
    %select_n3A = arith.select %and3A, %sub3A_159, %div3A : i32
    %get3A_160 = arith.constant 0 : index
    %get3A_161 = arith.constant 0 : index
    %get3A_162 = vector.load %arg10[%get3A_160, %get3A_161] : memref<16x256xf32, #tpu.memory_space<vmem>>, vector<16x128xf32>
    %get3A_163 = arith.constant 0 : index
    %get3A_164 = arith.constant 128 : index
    %get3A_165 = vector.load %arg10[%get3A_163, %get3A_164] : memref<16x256xf32, #tpu.memory_space<vmem>>, vector<16x128xf32>
    %get3A_166 = arith.constant 0 : index
    %get3A_167 = arith.constant 0 : index
    %get3A_168 = vector.load %arg11[%get3A_166, %get3A_167] : memref<16x256xf32, #tpu.memory_space<vmem>>, vector<16x128xf32>
    %get3A_169 = arith.constant 0 : index
    %get3A_170 = arith.constant 128 : index
    %get3A_171 = vector.load %arg11[%get3A_169, %get3A_170] : memref<16x256xf32, #tpu.memory_space<vmem>>, vector<16x128xf32>
    %while3A = arith.constant 0 : i32
    %while3A_172 = arith.subi %select_n3A, %while3A : i32
    %while3A_173 = arith.addi %while3A, %while3A_172 : i32
    %while3A_174 = arith.constant 1 : i32
    %while3A_175 = arith.divsi %while3A_172, %while3A_174 : i32
    %while3A_176 = arith.muli %while3A_175, %while3A_174 : i32
    %while3A_177 = arith.addi %while3A, %while3A_176 : i32
    %while3A_178 = arith.constant 1 : i32
    %while3A_179:4 = scf.for %while3A_194 = %while3A to %while3A_177 step %while3A_178 iter_args(%while3A_195 = %get3A_162, %while3A_196 = %get3A_165, %while3A_197 = %get3A_168, %while3A_198 = %get3A_171) -> (vector<16x128xf32>, vector<16x128xf32>, vector<16x128xf32>, vector<16x128xf32>)  : i32 {
      %mul3A_199 = arith.constant 2 : i32
      %mul3A_200 = arith.muli %mul3A_199, %while3A_194 : i32
      %add3A_201 = arith.constant 1 : i32
      %add3A_202 = arith.addi %mul3A_200, %add3A_201 : i32
      %mul3A_203 = arith.constant 2 : i32
      %mul3A_204 = arith.muli %mul3A_203, %while3A_194 : i32
      %convert_element_type3A_205 = arith.truncf %while3A_195 : vector<16x128xf32> to vector<16x128xbf16>
      %dot_general3A_206 = arith.constant dense<0.000000e+00> : vector<16x512xf32>
      %dot_general3A_207 = tpu.matmul %convert_element_type3A_205, %get3A_136, %dot_general3A_206 {dimension_numbers = #tpu.dot_dimension_numbers<[1], [0], [0], [1], [0, 0, 1, 1], [], []>, transpose_lhs_hint = false} : vector<16x128xbf16>, vector<128x512xbf16>, vector<16x512xf32> -> vector<16x512xf32>
      %get3A_208 = arith.index_cast %mul3A_204 : i32 to index
      %get3A_209 = arith.constant 0 : index
      %get3A_210 = arith.constant 0 : index
      %get3A_211 = vector.load %arg12[%get3A_208, %get3A_209, %get3A_210] : memref<128x16x512xf32, #tpu.memory_space<vmem>>, vector<1x16x512xf32>
      %get3A_212 = vector.shape_cast %get3A_211 : vector<1x16x512xf32> to vector<16x512xf32>
      %add3A_213 = arith.addf %dot_general3A_207, %get3A_212 : vector<16x512xf32>
      %convert_element_type3A_214 = arith.truncf %while3A_196 : vector<16x128xf32> to vector<16x128xbf16>
      %dot_general3A_215 = arith.constant dense<0.000000e+00> : vector<16x512xf32>
      %dot_general3A_216 = tpu.matmul %convert_element_type3A_214, %get3A_139, %dot_general3A_215 {dimension_numbers = #tpu.dot_dimension_numbers<[1], [0], [0], [1], [0, 0, 1, 1], [], []>, transpose_lhs_hint = false} : vector<16x128xbf16>, vector<128x512xbf16>, vector<16x512xf32> -> vector<16x512xf32>
      %get3A_217 = arith.index_cast %mul3A_204 : i32 to index
      %get3A_218 = arith.constant 0 : index
      %get3A_219 = arith.constant 0 : index
      %get3A_220 = vector.load %arg13[%get3A_217, %get3A_218, %get3A_219] : memref<128x16x512xf32, #tpu.memory_space<vmem>>, vector<1x16x512xf32>
      %get3A_221 = vector.shape_cast %get3A_220 : vector<1x16x512xf32> to vector<16x512xf32>
      %add3A_222 = arith.addf %dot_general3A_216, %get3A_221 : vector<16x512xf32>
      %slice3A_223 = vector.extract_strided_slice %add3A_213 {offsets = [0, 0], sizes = [16, 128], strides = [1, 1]} : vector<16x512xf32> to vector<16x128xf32>
      %logistic3A = arith.negf %slice3A_223 : vector<16x128xf32>
      %logistic3A_224 = math.exp %logistic3A : vector<16x128xf32>
      %logistic3A_225 = arith.constant 1.000000e+00 : f32
      %logistic3A_226 = vector.broadcast %logistic3A_225 : f32 to vector<16x128xf32>
      %logistic3A_227 = arith.addf %logistic3A_226, %logistic3A_224 : vector<16x128xf32>
      %logistic3A_228 = arith.divf %logistic3A_226, %logistic3A_227 : vector<16x128xf32>
      %slice3A_229 = vector.extract_strided_slice %add3A_213 {offsets = [0, 128], sizes = [16, 128], strides = [1, 1]} : vector<16x512xf32> to vector<16x128xf32>
      %logistic3A_230 = arith.negf %slice3A_229 : vector<16x128xf32>
      %logistic3A_231 = math.exp %logistic3A_230 : vector<16x128xf32>
      %logistic3A_232 = arith.constant 1.000000e+00 : f32
      %logistic3A_233 = vector.broadcast %logistic3A_232 : f32 to vector<16x128xf32>
      %logistic3A_234 = arith.addf %logistic3A_233, %logistic3A_231 : vector<16x128xf32>
      %logistic3A_235 = arith.divf %logistic3A_233, %logistic3A_234 : vector<16x128xf32>
      %slice3A_236 = vector.extract_strided_slice %add3A_213 {offsets = [0, 256], sizes = [16, 128], strides = [1, 1]} : vector<16x512xf32> to vector<16x128xf32>
      %tanh3A = math.tanh %slice3A_236 : vector<16x128xf32>
      %slice3A_237 = vector.extract_strided_slice %add3A_213 {offsets = [0, 384], sizes = [16, 128], strides = [1, 1]} : vector<16x512xf32> to vector<16x128xf32>
      %logistic3A_238 = arith.negf %slice3A_237 : vector<16x128xf32>
      %logistic3A_239 = math.exp %logistic3A_238 : vector<16x128xf32>
      %logistic3A_240 = arith.constant 1.000000e+00 : f32
      %logistic3A_241 = vector.broadcast %logistic3A_240 : f32 to vector<16x128xf32>
      %logistic3A_242 = arith.addf %logistic3A_241, %logistic3A_239 : vector<16x128xf32>
      %logistic3A_243 = arith.divf %logistic3A_241, %logistic3A_242 : vector<16x128xf32>
      %slice3A_244 = vector.extract_strided_slice %add3A_222 {offsets = [0, 0], sizes = [16, 128], strides = [1, 1]} : vector<16x512xf32> to vector<16x128xf32>
      %logistic3A_245 = arith.negf %slice3A_244 : vector<16x128xf32>
      %logistic3A_246 = math.exp %logistic3A_245 : vector<16x128xf32>
      %logistic3A_247 = arith.constant 1.000000e+00 : f32
      %logistic3A_248 = vector.broadcast %logistic3A_247 : f32 to vector<16x128xf32>
      %logistic3A_249 = arith.addf %logistic3A_248, %logistic3A_246 : vector<16x128xf32>
      %logistic3A_250 = arith.divf %logistic3A_248, %logistic3A_249 : vector<16x128xf32>
      %slice3A_251 = vector.extract_strided_slice %add3A_222 {offsets = [0, 128], sizes = [16, 128], strides = [1, 1]} : vector<16x512xf32> to vector<16x128xf32>
      %logistic3A_252 = arith.negf %slice3A_251 : vector<16x128xf32>
      %logistic3A_253 = math.exp %logistic3A_252 : vector<16x128xf32>
      %logistic3A_254 = arith.constant 1.000000e+00 : f32
      %logistic3A_255 = vector.broadcast %logistic3A_254 : f32 to vector<16x128xf32>
      %logistic3A_256 = arith.addf %logistic3A_255, %logistic3A_253 : vector<16x128xf32>
      %logistic3A_257 = arith.divf %logistic3A_255, %logistic3A_256 : vector<16x128xf32>
      %slice3A_258 = vector.extract_strided_slice %add3A_222 {offsets = [0, 256], sizes = [16, 128], strides = [1, 1]} : vector<16x512xf32> to vector<16x128xf32>
      %tanh3A_259 = math.tanh %slice3A_258 : vector<16x128xf32>
      %slice3A_260 = vector.extract_strided_slice %add3A_222 {offsets = [0, 384], sizes = [16, 128], strides = [1, 1]} : vector<16x512xf32> to vector<16x128xf32>
      %logistic3A_261 = arith.negf %slice3A_260 : vector<16x128xf32>
      %logistic3A_262 = math.exp %logistic3A_261 : vector<16x128xf32>
      %logistic3A_263 = arith.constant 1.000000e+00 : f32
      %logistic3A_264 = vector.broadcast %logistic3A_263 : f32 to vector<16x128xf32>
      %logistic3A_265 = arith.addf %logistic3A_264, %logistic3A_262 : vector<16x128xf32>
      %logistic3A_266 = arith.divf %logistic3A_264, %logistic3A_265 : vector<16x128xf32>
      %mul3A_267 = arith.mulf %logistic3A_235, %while3A_197 : vector<16x128xf32>
      %mul3A_268 = arith.mulf %logistic3A_228, %tanh3A : vector<16x128xf32>
      %add3A_269 = arith.addf %mul3A_267, %mul3A_268 : vector<16x128xf32>
      %mul3A_270 = arith.mulf %logistic3A_257, %while3A_198 : vector<16x128xf32>
      %mul3A_271 = arith.mulf %logistic3A_250, %tanh3A_259 : vector<16x128xf32>
      %add3A_272 = arith.addf %mul3A_270, %mul3A_271 : vector<16x128xf32>
      %tanh3A_273 = math.tanh %add3A_269 : vector<16x128xf32>
      %mul3A_274 = arith.mulf %logistic3A_243, %tanh3A_273 : vector<16x128xf32>
      %tanh3A_275 = math.tanh %add3A_272 : vector<16x128xf32>
      %mul3A_276 = arith.mulf %logistic3A_266, %tanh3A_275 : vector<16x128xf32>
      %swap3A_277 = arith.index_cast %mul3A_204 : i32 to index
      %swap3A_278 = arith.constant 0 : index
      %swap3A_279 = arith.constant 0 : index
      %swap3A_280 = vector.load %arg9[%swap3A_277, %swap3A_278, %swap3A_279] : memref<128x16x256xf32, #tpu.memory_space<vmem>>, vector<1x16x128xf32>
      %swap3A_281 = vector.shape_cast %swap3A_280 : vector<1x16x128xf32> to vector<16x128xf32>
      %swap3A_282 = vector.shape_cast %mul3A_274 : vector<16x128xf32> to vector<1x16x128xf32>
      tpu.vector_store %arg9[%swap3A_277, %swap3A_278, %swap3A_279], %swap3A_282 {strides = array<i32>} : memref<128x16x256xf32, #tpu.memory_space<vmem>>, vector<1x16x128xf32>,
      %swap3A_283 = arith.index_cast %mul3A_204 : i32 to index
      %swap3A_284 = arith.constant 0 : index
      %swap3A_285 = arith.constant 128 : index
      %swap3A_286 = vector.load %arg9[%swap3A_283, %swap3A_284, %swap3A_285] : memref<128x16x256xf32, #tpu.memory_space<vmem>>, vector<1x16x128xf32>
      %swap3A_287 = vector.shape_cast %swap3A_286 : vector<1x16x128xf32> to vector<16x128xf32>
      %swap3A_288 = vector.shape_cast %mul3A_276 : vector<16x128xf32> to vector<1x16x128xf32>
      tpu.vector_store %arg9[%swap3A_283, %swap3A_284, %swap3A_285], %swap3A_288 {strides = array<i32>} : memref<128x16x256xf32, #tpu.memory_space<vmem>>, vector<1x16x128xf32>,
      %convert_element_type3A_289 = arith.truncf %mul3A_274 : vector<16x128xf32> to vector<16x128xbf16>
      %dot_general3A_290 = arith.constant dense<0.000000e+00> : vector<16x512xf32>
      %dot_general3A_291 = tpu.matmul %convert_element_type3A_289, %get3A_136, %dot_general3A_290 {dimension_numbers = #tpu.dot_dimension_numbers<[1], [0], [0], [1], [0, 0, 1, 1], [], []>, transpose_lhs_hint = false} : vector<16x128xbf16>, vector<128x512xbf16>, vector<16x512xf32> -> vector<16x512xf32>
      %get3A_292 = arith.index_cast %add3A_202 : i32 to index
      %get3A_293 = arith.constant 0 : index
      %get3A_294 = arith.constant 0 : index
      %get3A_295 = vector.load %arg12[%get3A_292, %get3A_293, %get3A_294] : memref<128x16x512xf32, #tpu.memory_space<vmem>>, vector<1x16x512xf32>
      %get3A_296 = vector.shape_cast %get3A_295 : vector<1x16x512xf32> to vector<16x512xf32>
      %add3A_297 = arith.addf %dot_general3A_291, %get3A_296 : vector<16x512xf32>
      %convert_element_type3A_298 = arith.truncf %mul3A_276 : vector<16x128xf32> to vector<16x128xbf16>
      %dot_general3A_299 = arith.constant dense<0.000000e+00> : vector<16x512xf32>
      %dot_general3A_300 = tpu.matmul %convert_element_type3A_298, %get3A_139, %dot_general3A_299 {dimension_numbers = #tpu.dot_dimension_numbers<[1], [0], [0], [1], [0, 0, 1, 1], [], []>, transpose_lhs_hint = false} : vector<16x128xbf16>, vector<128x512xbf16>, vector<16x512xf32> -> vector<16x512xf32>
      %get3A_301 = arith.index_cast %add3A_202 : i32 to index
      %get3A_302 = arith.constant 0 : index
      %get3A_303 = arith.constant 0 : index
      %get3A_304 = vector.load %arg13[%get3A_301, %get3A_302, %get3A_303] : memref<128x16x512xf32, #tpu.memory_space<vmem>>, vector<1x16x512xf32>
      %get3A_305 = vector.shape_cast %get3A_304 : vector<1x16x512xf32> to vector<16x512xf32>
      %add3A_306 = arith.addf %dot_general3A_300, %get3A_305 : vector<16x512xf32>
      %slice3A_307 = vector.extract_strided_slice %add3A_297 {offsets = [0, 0], sizes = [16, 128], strides = [1, 1]} : vector<16x512xf32> to vector<16x128xf32>
      %logistic3A_308 = arith.negf %slice3A_307 : vector<16x128xf32>
      %logistic3A_309 = math.exp %logistic3A_308 : vector<16x128xf32>
      %logistic3A_310 = arith.constant 1.000000e+00 : f32
      %logistic3A_311 = vector.broadcast %logistic3A_310 : f32 to vector<16x128xf32>
      %logistic3A_312 = arith.addf %logistic3A_311, %logistic3A_309 : vector<16x128xf32>
      %logistic3A_313 = arith.divf %logistic3A_311, %logistic3A_312 : vector<16x128xf32>
      %slice3A_314 = vector.extract_strided_slice %add3A_297 {offsets = [0, 128], sizes = [16, 128], strides = [1, 1]} : vector<16x512xf32> to vector<16x128xf32>
      %logistic3A_315 = arith.negf %slice3A_314 : vector<16x128xf32>
      %logistic3A_316 = math.exp %logistic3A_315 : vector<16x128xf32>
      %logistic3A_317 = arith.constant 1.000000e+00 : f32
      %logistic3A_318 = vector.broadcast %logistic3A_317 : f32 to vector<16x128xf32>
      %logistic3A_319 = arith.addf %logistic3A_318, %logistic3A_316 : vector<16x128xf32>
      %logistic3A_320 = arith.divf %logistic3A_318, %logistic3A_319 : vector<16x128xf32>
      %slice3A_321 = vector.extract_strided_slice %add3A_297 {offsets = [0, 256], sizes = [16, 128], strides = [1, 1]} : vector<16x512xf32> to vector<16x128xf32>
      %tanh3A_322 = math.tanh %slice3A_321 : vector<16x128xf32>
      %slice3A_323 = vector.extract_strided_slice %add3A_297 {offsets = [0, 384], sizes = [16, 128], strides = [1, 1]} : vector<16x512xf32> to vector<16x128xf32>
      %logistic3A_324 = arith.negf %slice3A_323 : vector<16x128xf32>
      %logistic3A_325 = math.exp %logistic3A_324 : vector<16x128xf32>
      %logistic3A_326 = arith.constant 1.000000e+00 : f32
      %logistic3A_327 = vector.broadcast %logistic3A_326 : f32 to vector<16x128xf32>
      %logistic3A_328 = arith.addf %logistic3A_327, %logistic3A_325 : vector<16x128xf32>
      %logistic3A_329 = arith.divf %logistic3A_327, %logistic3A_328 : vector<16x128xf32>
      %slice3A_330 = vector.extract_strided_slice %add3A_306 {offsets = [0, 0], sizes = [16, 128], strides = [1, 1]} : vector<16x512xf32> to vector<16x128xf32>
      %logistic3A_331 = arith.negf %slice3A_330 : vector<16x128xf32>
      %logistic3A_332 = math.exp %logistic3A_331 : vector<16x128xf32>
      %logistic3A_333 = arith.constant 1.000000e+00 : f32
      %logistic3A_334 = vector.broadcast %logistic3A_333 : f32 to vector<16x128xf32>
      %logistic3A_335 = arith.addf %logistic3A_334, %logistic3A_332 : vector<16x128xf32>
      %logistic3A_336 = arith.divf %logistic3A_334, %logistic3A_335 : vector<16x128xf32>
      %slice3A_337 = vector.extract_strided_slice %add3A_306 {offsets = [0, 128], sizes = [16, 128], strides = [1, 1]} : vector<16x512xf32> to vector<16x128xf32>
      %logistic3A_338 = arith.negf %slice3A_337 : vector<16x128xf32>
      %logistic3A_339 = math.exp %logistic3A_338 : vector<16x128xf32>
      %logistic3A_340 = arith.constant 1.000000e+00 : f32
      %logistic3A_341 = vector.broadcast %logistic3A_340 : f32 to vector<16x128xf32>
      %logistic3A_342 = arith.addf %logistic3A_341, %logistic3A_339 : vector<16x128xf32>
      %logistic3A_343 = arith.divf %logistic3A_341, %logistic3A_342 : vector<16x128xf32>
      %slice3A_344 = vector.extract_strided_slice %add3A_306 {offsets = [0, 256], sizes = [16, 128], strides = [1, 1]} : vector<16x512xf32> to vector<16x128xf32>
      %tanh3A_345 = math.tanh %slice3A_344 : vector<16x128xf32>
      %slice3A_346 = vector.extract_strided_slice %add3A_306 {offsets = [0, 384], sizes = [16, 128], strides = [1, 1]} : vector<16x512xf32> to vector<16x128xf32>
      %logistic3A_347 = arith.negf %slice3A_346 : vector<16x128xf32>
      %logistic3A_348 = math.exp %logistic3A_347 : vector<16x128xf32>
      %logistic3A_349 = arith.constant 1.000000e+00 : f32
      %logistic3A_350 = vector.broadcast %logistic3A_349 : f32 to vector<16x128xf32>
      %logistic3A_351 = arith.addf %logistic3A_350, %logistic3A_348 : vector<16x128xf32>
      %logistic3A_352 = arith.divf %logistic3A_350, %logistic3A_351 : vector<16x128xf32>
      %mul3A_353 = arith.mulf %logistic3A_320, %add3A_269 : vector<16x128xf32>
      %mul3A_354 = arith.mulf %logistic3A_313, %tanh3A_322 : vector<16x128xf32>
      %add3A_355 = arith.addf %mul3A_353, %mul3A_354 : vector<16x128xf32>
      %mul3A_356 = arith.mulf %logistic3A_343, %add3A_272 : vector<16x128xf32>
      %mul3A_357 = arith.mulf %logistic3A_336, %tanh3A_345 : vector<16x128xf32>
      %add3A_358 = arith.addf %mul3A_356, %mul3A_357 : vector<16x128xf32>
      %tanh3A_359 = math.tanh %add3A_355 : vector<16x128xf32>
      %mul3A_360 = arith.mulf %logistic3A_329, %tanh3A_359 : vector<16x128xf32>
      %tanh3A_361 = math.tanh %add3A_358 : vector<16x128xf32>
      %mul3A_362 = arith.mulf %logistic3A_352, %tanh3A_361 : vector<16x128xf32>
      %swap3A_363 = arith.index_cast %add3A_202 : i32 to index
      %swap3A_364 = arith.constant 0 : index
      %swap3A_365 = arith.constant 0 : index
      %swap3A_366 = vector.load %arg9[%swap3A_363, %swap3A_364, %swap3A_365] : memref<128x16x256xf32, #tpu.memory_space<vmem>>, vector<1x16x128xf32>
      %swap3A_367 = vector.shape_cast %swap3A_366 : vector<1x16x128xf32> to vector<16x128xf32>
      %swap3A_368 = vector.shape_cast %mul3A_360 : vector<16x128xf32> to vector<1x16x128xf32>
      tpu.vector_store %arg9[%swap3A_363, %swap3A_364, %swap3A_365], %swap3A_368 {strides = array<i32>} : memref<128x16x256xf32, #tpu.memory_space<vmem>>, vector<1x16x128xf32>,
      %swap3A_369 = arith.index_cast %add3A_202 : i32 to index
      %swap3A_370 = arith.constant 0 : index
      %swap3A_371 = arith.constant 128 : index
      %swap3A_372 = vector.load %arg9[%swap3A_369, %swap3A_370, %swap3A_371] : memref<128x16x256xf32, #tpu.memory_space<vmem>>, vector<1x16x128xf32>
      %swap3A_373 = vector.shape_cast %swap3A_372 : vector<1x16x128xf32> to vector<16x128xf32>
      %swap3A_374 = vector.shape_cast %mul3A_362 : vector<16x128xf32> to vector<1x16x128xf32>
      tpu.vector_store %arg9[%swap3A_369, %swap3A_370, %swap3A_371], %swap3A_374 {strides = array<i32>} : memref<128x16x256xf32, #tpu.memory_space<vmem>>, vector<1x16x128xf32>,
      scf.yield %mul3A_360, %mul3A_362, %add3A_355, %add3A_358 : vector<16x128xf32>, vector<16x128xf32>, vector<16x128xf32>, vector<16x128xf32>
    }
    %while3A_180 = arith.constant 1 : i32
    %while3A_181:4 = scf.for %while3A_194 = %while3A_177 to %while3A_173 step %while3A_180 iter_args(%while3A_195 = %while3A_179#0, %while3A_196 = %while3A_179#1, %while3A_197 = %while3A_179#2, %while3A_198 = %while3A_179#3) -> (vector<16x128xf32>, vector<16x128xf32>, vector<16x128xf32>, vector<16x128xf32>)  : i32 {
      %mul3A_199 = arith.constant 2 : i32
      %mul3A_200 = arith.muli %mul3A_199, %while3A_194 : i32
      %add3A_201 = arith.constant 1 : i32
      %add3A_202 = arith.addi %mul3A_200, %add3A_201 : i32
      %mul3A_203 = arith.constant 2 : i32
      %mul3A_204 = arith.muli %mul3A_203, %while3A_194 : i32
      %convert_element_type3A_205 = arith.truncf %while3A_195 : vector<16x128xf32> to vector<16x128xbf16>
      %dot_general3A_206 = arith.constant dense<0.000000e+00> : vector<16x512xf32>
      %dot_general3A_207 = tpu.matmul %convert_element_type3A_205, %get3A_136, %dot_general3A_206 {dimension_numbers = #tpu.dot_dimension_numbers<[1], [0], [0], [1], [0, 0, 1, 1], [], []>, transpose_lhs_hint = false} : vector<16x128xbf16>, vector<128x512xbf16>, vector<16x512xf32> -> vector<16x512xf32>
      %get3A_208 = arith.index_cast %mul3A_204 : i32 to index
      %get3A_209 = arith.constant 0 : index
      %get3A_210 = arith.constant 0 : index
      %get3A_211 = vector.load %arg12[%get3A_208, %get3A_209, %get3A_210] : memref<128x16x512xf32, #tpu.memory_space<vmem>>, vector<1x16x512xf32>
      %get3A_212 = vector.shape_cast %get3A_211 : vector<1x16x512xf32> to vector<16x512xf32>
      %add3A_213 = arith.addf %dot_general3A_207, %get3A_212 : vector<16x512xf32>
      %convert_element_type3A_214 = arith.truncf %while3A_196 : vector<16x128xf32> to vector<16x128xbf16>
      %dot_general3A_215 = arith.constant dense<0.000000e+00> : vector<16x512xf32>
      %dot_general3A_216 = tpu.matmul %convert_element_type3A_214, %get3A_139, %dot_general3A_215 {dimension_numbers = #tpu.dot_dimension_numbers<[1], [0], [0], [1], [0, 0, 1, 1], [], []>, transpose_lhs_hint = false} : vector<16x128xbf16>, vector<128x512xbf16>, vector<16x512xf32> -> vector<16x512xf32>
      %get3A_217 = arith.index_cast %mul3A_204 : i32 to index
      %get3A_218 = arith.constant 0 : index
      %get3A_219 = arith.constant 0 : index
      %get3A_220 = vector.load %arg13[%get3A_217, %get3A_218, %get3A_219] : memref<128x16x512xf32, #tpu.memory_space<vmem>>, vector<1x16x512xf32>
      %get3A_221 = vector.shape_cast %get3A_220 : vector<1x16x512xf32> to vector<16x512xf32>
      %add3A_222 = arith.addf %dot_general3A_216, %get3A_221 : vector<16x512xf32>
      %slice3A_223 = vector.extract_strided_slice %add3A_213 {offsets = [0, 0], sizes = [16, 128], strides = [1, 1]} : vector<16x512xf32> to vector<16x128xf32>
      %logistic3A = arith.negf %slice3A_223 : vector<16x128xf32>
      %logistic3A_224 = math.exp %logistic3A : vector<16x128xf32>
      %logistic3A_225 = arith.constant 1.000000e+00 : f32
      %logistic3A_226 = vector.broadcast %logistic3A_225 : f32 to vector<16x128xf32>
      %logistic3A_227 = arith.addf %logistic3A_226, %logistic3A_224 : vector<16x128xf32>
      %logistic3A_228 = arith.divf %logistic3A_226, %logistic3A_227 : vector<16x128xf32>
      %slice3A_229 = vector.extract_strided_slice %add3A_213 {offsets = [0, 128], sizes = [16, 128], strides = [1, 1]} : vector<16x512xf32> to vector<16x128xf32>
      %logistic3A_230 = arith.negf %slice3A_229 : vector<16x128xf32>
      %logistic3A_231 = math.exp %logistic3A_230 : vector<16x128xf32>
      %logistic3A_232 = arith.constant 1.000000e+00 : f32
      %logistic3A_233 = vector.broadcast %logistic3A_232 : f32 to vector<16x128xf32>
      %logistic3A_234 = arith.addf %logistic3A_233, %logistic3A_231 : vector<16x128xf32>
      %logistic3A_235 = arith.divf %logistic3A_233, %logistic3A_234 : vector<16x128xf32>
      %slice3A_236 = vector.extract_strided_slice %add3A_213 {offsets = [0, 256], sizes = [16, 128], strides = [1, 1]} : vector<16x512xf32> to vector<16x128xf32>
      %tanh3A = math.tanh %slice3A_236 : vector<16x128xf32>
      %slice3A_237 = vector.extract_strided_slice %add3A_213 {offsets = [0, 384], sizes = [16, 128], strides = [1, 1]} : vector<16x512xf32> to vector<16x128xf32>
      %logistic3A_238 = arith.negf %slice3A_237 : vector<16x128xf32>
      %logistic3A_239 = math.exp %logistic3A_238 : vector<16x128xf32>
      %logistic3A_240 = arith.constant 1.000000e+00 : f32
      %logistic3A_241 = vector.broadcast %logistic3A_240 : f32 to vector<16x128xf32>
      %logistic3A_242 = arith.addf %logistic3A_241, %logistic3A_239 : vector<16x128xf32>
      %logistic3A_243 = arith.divf %logistic3A_241, %logistic3A_242 : vector<16x128xf32>
      %slice3A_244 = vector.extract_strided_slice %add3A_222 {offsets = [0, 0], sizes = [16, 128], strides = [1, 1]} : vector<16x512xf32> to vector<16x128xf32>
      %logistic3A_245 = arith.negf %slice3A_244 : vector<16x128xf32>
      %logistic3A_246 = math.exp %logistic3A_245 : vector<16x128xf32>
      %logistic3A_247 = arith.constant 1.000000e+00 : f32
      %logistic3A_248 = vector.broadcast %logistic3A_247 : f32 to vector<16x128xf32>
      %logistic3A_249 = arith.addf %logistic3A_248, %logistic3A_246 : vector<16x128xf32>
      %logistic3A_250 = arith.divf %logistic3A_248, %logistic3A_249 : vector<16x128xf32>
      %slice3A_251 = vector.extract_strided_slice %add3A_222 {offsets = [0, 128], sizes = [16, 128], strides = [1, 1]} : vector<16x512xf32> to vector<16x128xf32>
      %logistic3A_252 = arith.negf %slice3A_251 : vector<16x128xf32>
      %logistic3A_253 = math.exp %logistic3A_252 : vector<16x128xf32>
      %logistic3A_254 = arith.constant 1.000000e+00 : f32
      %logistic3A_255 = vector.broadcast %logistic3A_254 : f32 to vector<16x128xf32>
      %logistic3A_256 = arith.addf %logistic3A_255, %logistic3A_253 : vector<16x128xf32>
      %logistic3A_257 = arith.divf %logistic3A_255, %logistic3A_256 : vector<16x128xf32>
      %slice3A_258 = vector.extract_strided_slice %add3A_222 {offsets = [0, 256], sizes = [16, 128], strides = [1, 1]} : vector<16x512xf32> to vector<16x128xf32>
      %tanh3A_259 = math.tanh %slice3A_258 : vector<16x128xf32>
      %slice3A_260 = vector.extract_strided_slice %add3A_222 {offsets = [0, 384], sizes = [16, 128], strides = [1, 1]} : vector<16x512xf32> to vector<16x128xf32>
      %logistic3A_261 = arith.negf %slice3A_260 : vector<16x128xf32>
      %logistic3A_262 = math.exp %logistic3A_261 : vector<16x128xf32>
      %logistic3A_263 = arith.constant 1.000000e+00 : f32
      %logistic3A_264 = vector.broadcast %logistic3A_263 : f32 to vector<16x128xf32>
      %logistic3A_265 = arith.addf %logistic3A_264, %logistic3A_262 : vector<16x128xf32>
      %logistic3A_266 = arith.divf %logistic3A_264, %logistic3A_265 : vector<16x128xf32>
      %mul3A_267 = arith.mulf %logistic3A_235, %while3A_197 : vector<16x128xf32>
      %mul3A_268 = arith.mulf %logistic3A_228, %tanh3A : vector<16x128xf32>
      %add3A_269 = arith.addf %mul3A_267, %mul3A_268 : vector<16x128xf32>
      %mul3A_270 = arith.mulf %logistic3A_257, %while3A_198 : vector<16x128xf32>
      %mul3A_271 = arith.mulf %logistic3A_250, %tanh3A_259 : vector<16x128xf32>
      %add3A_272 = arith.addf %mul3A_270, %mul3A_271 : vector<16x128xf32>
      %tanh3A_273 = math.tanh %add3A_269 : vector<16x128xf32>
      %mul3A_274 = arith.mulf %logistic3A_243, %tanh3A_273 : vector<16x128xf32>
      %tanh3A_275 = math.tanh %add3A_272 : vector<16x128xf32>
      %mul3A_276 = arith.mulf %logistic3A_266, %tanh3A_275 : vector<16x128xf32>
      %swap3A_277 = arith.index_cast %mul3A_204 : i32 to index
      %swap3A_278 = arith.constant 0 : index
      %swap3A_279 = arith.constant 0 : index
      %swap3A_280 = vector.load %arg9[%swap3A_277, %swap3A_278, %swap3A_279] : memref<128x16x256xf32, #tpu.memory_space<vmem>>, vector<1x16x128xf32>
      %swap3A_281 = vector.shape_cast %swap3A_280 : vector<1x16x128xf32> to vector<16x128xf32>
      %swap3A_282 = vector.shape_cast %mul3A_274 : vector<16x128xf32> to vector<1x16x128xf32>
      tpu.vector_store %arg9[%swap3A_277, %swap3A_278, %swap3A_279], %swap3A_282 {strides = array<i32>} : memref<128x16x256xf32, #tpu.memory_space<vmem>>, vector<1x16x128xf32>,
      %swap3A_283 = arith.index_cast %mul3A_204 : i32 to index
      %swap3A_284 = arith.constant 0 : index
      %swap3A_285 = arith.constant 128 : index
      %swap3A_286 = vector.load %arg9[%swap3A_283, %swap3A_284, %swap3A_285] : memref<128x16x256xf32, #tpu.memory_space<vmem>>, vector<1x16x128xf32>
      %swap3A_287 = vector.shape_cast %swap3A_286 : vector<1x16x128xf32> to vector<16x128xf32>
      %swap3A_288 = vector.shape_cast %mul3A_276 : vector<16x128xf32> to vector<1x16x128xf32>
      tpu.vector_store %arg9[%swap3A_283, %swap3A_284, %swap3A_285], %swap3A_288 {strides = array<i32>} : memref<128x16x256xf32, #tpu.memory_space<vmem>>, vector<1x16x128xf32>,
      %convert_element_type3A_289 = arith.truncf %mul3A_274 : vector<16x128xf32> to vector<16x128xbf16>
      %dot_general3A_290 = arith.constant dense<0.000000e+00> : vector<16x512xf32>
      %dot_general3A_291 = tpu.matmul %convert_element_type3A_289, %get3A_136, %dot_general3A_290 {dimension_numbers = #tpu.dot_dimension_numbers<[1], [0], [0], [1], [0, 0, 1, 1], [], []>, transpose_lhs_hint = false} : vector<16x128xbf16>, vector<128x512xbf16>, vector<16x512xf32> -> vector<16x512xf32>
      %get3A_292 = arith.index_cast %add3A_202 : i32 to index
      %get3A_293 = arith.constant 0 : index
      %get3A_294 = arith.constant 0 : index
      %get3A_295 = vector.load %arg12[%get3A_292, %get3A_293, %get3A_294] : memref<128x16x512xf32, #tpu.memory_space<vmem>>, vector<1x16x512xf32>
      %get3A_296 = vector.shape_cast %get3A_295 : vector<1x16x512xf32> to vector<16x512xf32>
      %add3A_297 = arith.addf %dot_general3A_291, %get3A_296 : vector<16x512xf32>
      %convert_element_type3A_298 = arith.truncf %mul3A_276 : vector<16x128xf32> to vector<16x128xbf16>
      %dot_general3A_299 = arith.constant dense<0.000000e+00> : vector<16x512xf32>
      %dot_general3A_300 = tpu.matmul %convert_element_type3A_298, %get3A_139, %dot_general3A_299 {dimension_numbers = #tpu.dot_dimension_numbers<[1], [0], [0], [1], [0, 0, 1, 1], [], []>, transpose_lhs_hint = false} : vector<16x128xbf16>, vector<128x512xbf16>, vector<16x512xf32> -> vector<16x512xf32>
      %get3A_301 = arith.index_cast %add3A_202 : i32 to index
      %get3A_302 = arith.constant 0 : index
      %get3A_303 = arith.constant 0 : index
      %get3A_304 = vector.load %arg13[%get3A_301, %get3A_302, %get3A_303] : memref<128x16x512xf32, #tpu.memory_space<vmem>>, vector<1x16x512xf32>
      %get3A_305 = vector.shape_cast %get3A_304 : vector<1x16x512xf32> to vector<16x512xf32>
      %add3A_306 = arith.addf %dot_general3A_300, %get3A_305 : vector<16x512xf32>
      %slice3A_307 = vector.extract_strided_slice %add3A_297 {offsets = [0, 0], sizes = [16, 128], strides = [1, 1]} : vector<16x512xf32> to vector<16x128xf32>
      %logistic3A_308 = arith.negf %slice3A_307 : vector<16x128xf32>
      %logistic3A_309 = math.exp %logistic3A_308 : vector<16x128xf32>
      %logistic3A_310 = arith.constant 1.000000e+00 : f32
      %logistic3A_311 = vector.broadcast %logistic3A_310 : f32 to vector<16x128xf32>
      %logistic3A_312 = arith.addf %logistic3A_311, %logistic3A_309 : vector<16x128xf32>
      %logistic3A_313 = arith.divf %logistic3A_311, %logistic3A_312 : vector<16x128xf32>
      %slice3A_314 = vector.extract_strided_slice %add3A_297 {offsets = [0, 128], sizes = [16, 128], strides = [1, 1]} : vector<16x512xf32> to vector<16x128xf32>
      %logistic3A_315 = arith.negf %slice3A_314 : vector<16x128xf32>
      %logistic3A_316 = math.exp %logistic3A_315 : vector<16x128xf32>
      %logistic3A_317 = arith.constant 1.000000e+00 : f32
      %logistic3A_318 = vector.broadcast %logistic3A_317 : f32 to vector<16x128xf32>
      %logistic3A_319 = arith.addf %logistic3A_318, %logistic3A_316 : vector<16x128xf32>
      %logistic3A_320 = arith.divf %logistic3A_318, %logistic3A_319 : vector<16x128xf32>
      %slice3A_321 = vector.extract_strided_slice %add3A_297 {offsets = [0, 256], sizes = [16, 128], strides = [1, 1]} : vector<16x512xf32> to vector<16x128xf32>
      %tanh3A_322 = math.tanh %slice3A_321 : vector<16x128xf32>
      %slice3A_323 = vector.extract_strided_slice %add3A_297 {offsets = [0, 384], sizes = [16, 128], strides = [1, 1]} : vector<16x512xf32> to vector<16x128xf32>
      %logistic3A_324 = arith.negf %slice3A_323 : vector<16x128xf32>
      %logistic3A_325 = math.exp %logistic3A_324 : vector<16x128xf32>
      %logistic3A_326 = arith.constant 1.000000e+00 : f32
      %logistic3A_327 = vector.broadcast %logistic3A_326 : f32 to vector<16x128xf32>
      %logistic3A_328 = arith.addf %logistic3A_327, %logistic3A_325 : vector<16x128xf32>
      %logistic3A_329 = arith.divf %logistic3A_327, %logistic3A_328 : vector<16x128xf32>
      %slice3A_330 = vector.extract_strided_slice %add3A_306 {offsets = [0, 0], sizes = [16, 128], strides = [1, 1]} : vector<16x512xf32> to vector<16x128xf32>
      %logistic3A_331 = arith.negf %slice3A_330 : vector<16x128xf32>
      %logistic3A_332 = math.exp %logistic3A_331 : vector<16x128xf32>
      %logistic3A_333 = arith.constant 1.000000e+00 : f32
      %logistic3A_334 = vector.broadcast %logistic3A_333 : f32 to vector<16x128xf32>
      %logistic3A_335 = arith.addf %logistic3A_334, %logistic3A_332 : vector<16x128xf32>
      %logistic3A_336 = arith.divf %logistic3A_334, %logistic3A_335 : vector<16x128xf32>
      %slice3A_337 = vector.extract_strided_slice %add3A_306 {offsets = [0, 128], sizes = [16, 128], strides = [1, 1]} : vector<16x512xf32> to vector<16x128xf32>
      %logistic3A_338 = arith.negf %slice3A_337 : vector<16x128xf32>
      %logistic3A_339 = math.exp %logistic3A_338 : vector<16x128xf32>
      %logistic3A_340 = arith.constant 1.000000e+00 : f32
      %logistic3A_341 = vector.broadcast %logistic3A_340 : f32 to vector<16x128xf32>
      %logistic3A_342 = arith.addf %logistic3A_341, %logistic3A_339 : vector<16x128xf32>
      %logistic3A_343 = arith.divf %logistic3A_341, %logistic3A_342 : vector<16x128xf32>
      %slice3A_344 = vector.extract_strided_slice %add3A_306 {offsets = [0, 256], sizes = [16, 128], strides = [1, 1]} : vector<16x512xf32> to vector<16x128xf32>
      %tanh3A_345 = math.tanh %slice3A_344 : vector<16x128xf32>
      %slice3A_346 = vector.extract_strided_slice %add3A_306 {offsets = [0, 384], sizes = [16, 128], strides = [1, 1]} : vector<16x512xf32> to vector<16x128xf32>
      %logistic3A_347 = arith.negf %slice3A_346 : vector<16x128xf32>
      %logistic3A_348 = math.exp %logistic3A_347 : vector<16x128xf32>
      %logistic3A_349 = arith.constant 1.000000e+00 : f32
      %logistic3A_350 = vector.broadcast %logistic3A_349 : f32 to vector<16x128xf32>
      %logistic3A_351 = arith.addf %logistic3A_350, %logistic3A_348 : vector<16x128xf32>
      %logistic3A_352 = arith.divf %logistic3A_350, %logistic3A_351 : vector<16x128xf32>
      %mul3A_353 = arith.mulf %logistic3A_320, %add3A_269 : vector<16x128xf32>
      %mul3A_354 = arith.mulf %logistic3A_313, %tanh3A_322 : vector<16x128xf32>
      %add3A_355 = arith.addf %mul3A_353, %mul3A_354 : vector<16x128xf32>
      %mul3A_356 = arith.mulf %logistic3A_343, %add3A_272 : vector<16x128xf32>
      %mul3A_357 = arith.mulf %logistic3A_336, %tanh3A_345 : vector<16x128xf32>
      %add3A_358 = arith.addf %mul3A_356, %mul3A_357 : vector<16x128xf32>
      %tanh3A_359 = math.tanh %add3A_355 : vector<16x128xf32>
      %mul3A_360 = arith.mulf %logistic3A_329, %tanh3A_359 : vector<16x128xf32>
      %tanh3A_361 = math.tanh %add3A_358 : vector<16x128xf32>
      %mul3A_362 = arith.mulf %logistic3A_352, %tanh3A_361 : vector<16x128xf32>
      %swap3A_363 = arith.index_cast %add3A_202 : i32 to index
      %swap3A_364 = arith.constant 0 : index
      %swap3A_365 = arith.constant 0 : index
      %swap3A_366 = vector.load %arg9[%swap3A_363, %swap3A_364, %swap3A_365] : memref<128x16x256xf32, #tpu.memory_space<vmem>>, vector<1x16x128xf32>
      %swap3A_367 = vector.shape_cast %swap3A_366 : vector<1x16x128xf32> to vector<16x128xf32>
      %swap3A_368 = vector.shape_cast %mul3A_360 : vector<16x128xf32> to vector<1x16x128xf32>
      tpu.vector_store %arg9[%swap3A_363, %swap3A_364, %swap3A_365], %swap3A_368 {strides = array<i32>} : memref<128x16x256xf32, #tpu.memory_space<vmem>>, vector<1x16x128xf32>,
      %swap3A_369 = arith.index_cast %add3A_202 : i32 to index
      %swap3A_370 = arith.constant 0 : index
      %swap3A_371 = arith.constant 128 : index
      %swap3A_372 = vector.load %arg9[%swap3A_369, %swap3A_370, %swap3A_371] : memref<128x16x256xf32, #tpu.memory_space<vmem>>, vector<1x16x128xf32>
      %swap3A_373 = vector.shape_cast %swap3A_372 : vector<1x16x128xf32> to vector<16x128xf32>
      %swap3A_374 = vector.shape_cast %mul3A_362 : vector<16x128xf32> to vector<1x16x128xf32>
      tpu.vector_store %arg9[%swap3A_369, %swap3A_370, %swap3A_371], %swap3A_374 {strides = array<i32>} : memref<128x16x256xf32, #tpu.memory_space<vmem>>, vector<1x16x128xf32>,
      scf.yield %mul3A_360, %mul3A_362, %add3A_355, %add3A_358 : vector<16x128xf32>, vector<16x128xf32>, vector<16x128xf32>, vector<16x128xf32>
    }
    %swap3A_182 = arith.constant 0 : index
    %swap3A_183 = arith.constant 0 : index
    %swap3A_184 = vector.load %arg10[%swap3A_182, %swap3A_183] : memref<16x256xf32, #tpu.memory_space<vmem>>, vector<16x128xf32>
    tpu.vector_store %arg10[%swap3A_182, %swap3A_183], %while3A_181#0 {strides = array<i32>} : memref<16x256xf32, #tpu.memory_space<vmem>>, vector<16x128xf32>,
    %swap3A_185 = arith.constant 0 : index
    %swap3A_186 = arith.constant 128 : index
    %swap3A_187 = vector.load %arg10[%swap3A_185, %swap3A_186] : memref<16x256xf32, #tpu.memory_space<vmem>>, vector<16x128xf32>
    tpu.vector_store %arg10[%swap3A_185, %swap3A_186], %while3A_181#1 {strides = array<i32>} : memref<16x256xf32, #tpu.memory_space<vmem>>, vector<16x128xf32>,
    %swap3A_188 = arith.constant 0 : index
    %swap3A_189 = arith.constant 0 : index
    %swap3A_190 = vector.load %arg11[%swap3A_188, %swap3A_189] : memref<16x256xf32, #tpu.memory_space<vmem>>, vector<16x128xf32>
    tpu.vector_store %arg11[%swap3A_188, %swap3A_189], %while3A_181#2 {strides = array<i32>} : memref<16x256xf32, #tpu.memory_space<vmem>>, vector<16x128xf32>,
    %swap3A_191 = arith.constant 0 : index
    %swap3A_192 = arith.constant 128 : index
    %swap3A_193 = vector.load %arg11[%swap3A_191, %swap3A_192] : memref<16x256xf32, #tpu.memory_space<vmem>>, vector<16x128xf32>
    tpu.vector_store %arg11[%swap3A_191, %swap3A_192], %while3A_181#3 {strides = array<i32>} : memref<16x256xf32, #tpu.memory_space<vmem>>, vector<16x128xf32>,
    return
  }
  func.func @transform_0(%arg0: i32) -> (i32, i32, i32) {
    %c0_i32 = arith.constant 0 : i32
    %c0_i32_0 = arith.constant 0 : i32
    %c0_i32_1 = arith.constant 0 : i32
    return %arg0, %c0_i32, %c0_i32_0 : i32, i32, i32
  }
  func.func @transform_1(%arg0: i32) -> (i32, i32, i32) {
    %c0_i32 = arith.constant 0 : i32
    %c0_i32_0 = arith.constant 0 : i32
    %c0_i32_1 = arith.constant 0 : i32
    return %arg0, %c0_i32, %c0_i32_0 : i32, i32, i32
  }
  func.func @transform_2(%arg0: i32) -> (i32, i32, i32) {
    %c0_i32 = arith.constant 0 : i32
    %c0_i32_0 = arith.constant 0 : i32
    %c0_i32_1 = arith.constant 0 : i32
    return %arg0, %c0_i32, %c0_i32_0 : i32, i32, i32
  }
  func.func @transform_3(%arg0: i32) -> (i32, i32) {
    %c0_i32 = arith.constant 0 : i32
    %c0_i32_0 = arith.constant 0 : i32
    %c0_i32_1 = arith.constant 0 : i32
    return %c0_i32, %c0_i32_0 : i32, i32
  }
  func.func @transform_4(%arg0: i32) -> (i32, i32, i32) {
    %c0_i32 = arith.constant 0 : i32
    %c0_i32_0 = arith.constant 0 : i32
    %c0_i32_1 = arith.constant 0 : i32
    %c0_i32_2 = arith.constant 0 : i32
    return %c0_i32, %c0_i32_0, %c0_i32_1 : i32, i32, i32
  }
  func.func @transform_5(%arg0: i32) -> (i32, i32, i32) {
    %c0_i32 = arith.constant 0 : i32
    %c0_i32_0 = arith.constant 0 : i32
    %c0_i32_1 = arith.constant 0 : i32
    %c0_i32_2 = arith.constant 0 : i32
    return %c0_i32, %c0_i32_0, %c0_i32_1 : i32, i32, i32
  }
  func.func @transform_6(%arg0: i32) -> (i32, i32) {
    %c0_i32 = arith.constant 0 : i32
    %c0_i32_0 = arith.constant 0 : i32
    %c0_i32_1 = arith.constant 0 : i32
    return %c0_i32, %c0_i32_0 : i32, i32
  }
  func.func @transform_7(%arg0: i32) -> (i32, i32) {
    %c0_i32 = arith.constant 0 : i32
    %c0_i32_0 = arith.constant 0 : i32
    %c0_i32_1 = arith.constant 0 : i32
    return %c0_i32, %c0_i32_0 : i32, i32
  }
  func.func @transform_8(%arg0: i32) -> (i32, i32, i32) {
    %c0_i32 = arith.constant 0 : i32
    %c0_i32_0 = arith.constant 0 : i32
    %c0_i32_1 = arith.constant 0 : i32
    return %arg0, %c0_i32, %c0_i32_0 : i32, i32, i32
  }
}

module attributes {stable_mosaic.version = 14 : i64} {
  func.func @_proj_body(%arg0: i32, %arg1: memref<32x16x256xf32, #tpu.memory_space<vmem>>, %arg2: memref<32x16x64xf32, #tpu.memory_space<vmem>>, %arg3: memref<128x513xf32, #tpu.memory_space<vmem>>, %arg4: memref<1x513xf32, #tpu.memory_space<vmem>>, %arg5: memref<128x513xf32, #tpu.memory_space<vmem>>, %arg6: memref<1x513xf32, #tpu.memory_space<vmem>>, %arg7: memref<1x16x1xi32, #tpu.memory_space<vmem>>, %arg8: memref<2x32x16x513xf32, #tpu.memory_space<vmem>>) attributes {dimension_semantics = [#tpu.dimension_semantics<arbitrary>], iteration_bounds = array<i64: 17>, scalar_prefetch = 0 : i64, scratch_operands = 0 : i64, tpu.core_type = #tpu.core_type<tc>, window_params = [{transform_indices = @transform_0, window_bounds = array<i64: 32, 16, 256>}, {transform_indices = @transform_1, window_bounds = array<i64: 32, 16, 64>}, {pipeline_mode = #tpu.pipeline_mode<synchronous>, transform_indices = @transform_2, window_bounds = array<i64: 128, 513>}, {pipeline_mode = #tpu.pipeline_mode<synchronous>, transform_indices = @transform_3, window_bounds = array<i64: 1, 513>}, {pipeline_mode = #tpu.pipeline_mode<synchronous>, transform_indices = @transform_4, window_bounds = array<i64: 128, 513>}, {pipeline_mode = #tpu.pipeline_mode<synchronous>, transform_indices = @transform_5, window_bounds = array<i64: 1, 513>}, {pipeline_mode = #tpu.pipeline_mode<synchronous>, transform_indices = @transform_6, window_bounds = array<i64: 1, 16, 1>}, {transform_indices = @transform_7, window_bounds = array<i64: 2, 32, 16, 513>}]} {
    %get3A = arith.constant 0 : index
    %get3A_0 = arith.constant 0 : index
    %get3A_1 = arith.constant 0 : index
    %get3A_2 = vector.load %arg1[%get3A, %get3A_0, %get3A_1] : memref<32x16x256xf32, #tpu.memory_space<vmem>>, vector<32x16x256xf32>
    %slice3A = vector.extract_strided_slice %get3A_2 {offsets = [0, 0, 0], sizes = [32, 16, 64], strides = [1, 1, 1]} : vector<32x16x256xf32> to vector<32x16x64xf32>
    %get3A_3 = arith.constant 0 : index
    %get3A_4 = arith.constant 0 : index
    %get3A_5 = arith.constant 0 : index
    %get3A_6 = vector.load %arg2[%get3A_3, %get3A_4, %get3A_5] : memref<32x16x64xf32, #tpu.memory_space<vmem>>, vector<32x16x64xf32>
    %concatenate3A = tpu.concatenate %slice3A, %get3A_6 in 2 : vector<32x16x64xf32>, vector<32x16x64xf32> -> vector<32x16x128xf32>
    %slice3A_7 = vector.extract_strided_slice %get3A_2 {offsets = [0, 0, 128], sizes = [32, 16, 128], strides = [1, 1, 1]} : vector<32x16x256xf32> to vector<32x16x128xf32>
    %add3A = arith.addf %concatenate3A, %slice3A_7 : vector<32x16x128xf32>
    %reshape3A = vector.shape_cast %add3A : vector<32x16x128xf32> to vector<512x128xf32>
    %iota3A = tpu.iota {dimensions = array<i32: 0>} : vector<32x16x1xi32>
    %mul3A = arith.constant 32 : i32
    %mul3A_8 = arith.muli %arg0, %mul3A : i32
    %add3A_9 = vector.broadcast %mul3A_8 : i32 to vector<32x16x1xi32>
    %add3A_10 = arith.addi %iota3A, %add3A_9 : vector<32x16x1xi32>
    %get3A_11 = arith.constant 0 : index
    %get3A_12 = arith.constant 0 : index
    %get3A_13 = arith.constant 0 : index
    %get3A_14 = vector.load %arg7[%get3A_11, %get3A_12, %get3A_13] : memref<1x16x1xi32, #tpu.memory_space<vmem>>, vector<1x16x1xi32>
    %sub3A = arith.constant 1 : i32
    %sub3A_15 = vector.broadcast %sub3A : i32 to vector<1x16x1xi32>
    %sub3A_16 = arith.subi %get3A_14, %sub3A_15 : vector<1x16x1xi32>
    %lt3A = vector.broadcast %sub3A_16 : vector<1x16x1xi32> to vector<32x16x1xi32>
    %lt3A_17 = arith.cmpi slt, %add3A_10, %lt3A : vector<32x16x1xi32>
    %get3A_18 = arith.constant 0 : index
    %get3A_19 = arith.constant 0 : index
    %get3A_20 = vector.load %arg3[%get3A_18, %get3A_19] : memref<128x513xf32, #tpu.memory_space<vmem>>, vector<128x513xf32>
    %dot_general3A = arith.constant dense<0.000000e+00> : vector<512x513xf32>
    %dot_general3A_21 = tpu.matmul %reshape3A, %get3A_20, %dot_general3A {dimension_numbers = #tpu.dot_dimension_numbers<[1], [0], [0], [1], [0, 0, 1, 1], [], []>, transpose_lhs_hint = false} : vector<512x128xf32>, vector<128x513xf32>, vector<512x513xf32> -> vector<512x513xf32>
    %get3A_22 = arith.constant 0 : index
    %get3A_23 = arith.constant 0 : index
    %get3A_24 = vector.load %arg4[%get3A_22, %get3A_23] : memref<1x513xf32, #tpu.memory_space<vmem>>, vector<1x513xf32>
    %add3A_25 = vector.broadcast %get3A_24 : vector<1x513xf32> to vector<512x513xf32>
    %add3A_26 = arith.addf %dot_general3A_21, %add3A_25 : vector<512x513xf32>
    %reduce_max3A = arith.constant dense<0xFF800000> : vector<512xf32>
    %reduce_max3A_27 = vector.multi_reduction <maximumf>, %add3A_26, %reduce_max3A [1] : vector<512x513xf32> to vector<512xf32>
    %broadcast_in_dim3A = vector.shape_cast %reduce_max3A_27 : vector<512xf32> to vector<512x1xf32>
    %sub3A_28 = vector.broadcast %broadcast_in_dim3A : vector<512x1xf32> to vector<512x513xf32>
    %sub3A_29 = arith.subf %add3A_26, %sub3A_28 : vector<512x513xf32>
    %exp3A = math.exp %sub3A_29 : vector<512x513xf32>
    %reduce_sum3A = arith.constant dense<0.000000e+00> : vector<512xf32>
    %reduce_sum3A_30 = vector.multi_reduction <add>, %exp3A, %reduce_sum3A [1] : vector<512x513xf32> to vector<512xf32>
    %broadcast_in_dim3A_31 = vector.shape_cast %reduce_sum3A_30 : vector<512xf32> to vector<512x1xf32>
    %log3A = math.log %broadcast_in_dim3A_31 : vector<512x1xf32>
    %add3A_32 = arith.addf %log3A, %broadcast_in_dim3A : vector<512x1xf32>
    %sub3A_33 = vector.broadcast %add3A_32 : vector<512x1xf32> to vector<512x513xf32>
    %sub3A_34 = arith.subf %add3A_26, %sub3A_33 : vector<512x513xf32>
    %reshape3A_35 = vector.shape_cast %sub3A_34 : vector<512x513xf32> to vector<32x16x513xf32>
    %jit3A = arith.constant 0.000000e+00 : f32
    %broadcast_in_dim3A_36 = vector.shape_cast %lt3A_17 : vector<32x16x1xi1> to vector<32x16x1xi1>
    %broadcast_in_dim3A_37 = vector.broadcast %broadcast_in_dim3A_36 : vector<32x16x1xi1> to vector<32x16x513xi1>
    %broadcast_in_dim3A_38 = vector.broadcast %jit3A : f32 to vector<32x16x513xf32>
    %select_n3A = arith.select %broadcast_in_dim3A_37, %reshape3A_35, %broadcast_in_dim3A_38 : vector<32x16x513xi1>, vector<32x16x513xf32>
    %swap3A = arith.constant 0 : index
    %swap3A_39 = arith.constant 0 : index
    %swap3A_40 = arith.constant 0 : index
    %swap3A_41 = arith.constant 0 : index
    %swap3A_42 = vector.load %arg8[%swap3A, %swap3A_39, %swap3A_40, %swap3A_41] : memref<2x32x16x513xf32, #tpu.memory_space<vmem>>, vector<1x32x16x513xf32>
    %swap3A_43 = vector.shape_cast %swap3A_42 : vector<1x32x16x513xf32> to vector<32x16x513xf32>
    %swap3A_44 = vector.shape_cast %select_n3A : vector<32x16x513xf32> to vector<1x32x16x513xf32>
    tpu.vector_store %arg8[%swap3A, %swap3A_39, %swap3A_40, %swap3A_41], %swap3A_44 {strides = array<i32>} : memref<2x32x16x513xf32, #tpu.memory_space<vmem>>, vector<1x32x16x513xf32>,
    %get3A_45 = arith.constant 0 : index
    %get3A_46 = arith.constant 0 : index
    %get3A_47 = vector.load %arg5[%get3A_45, %get3A_46] : memref<128x513xf32, #tpu.memory_space<vmem>>, vector<128x513xf32>
    %dot_general3A_48 = arith.constant dense<0.000000e+00> : vector<512x513xf32>
    %dot_general3A_49 = tpu.matmul %reshape3A, %get3A_47, %dot_general3A_48 {dimension_numbers = #tpu.dot_dimension_numbers<[1], [0], [0], [1], [0, 0, 1, 1], [], []>, transpose_lhs_hint = false} : vector<512x128xf32>, vector<128x513xf32>, vector<512x513xf32> -> vector<512x513xf32>
    %get3A_50 = arith.constant 0 : index
    %get3A_51 = arith.constant 0 : index
    %get3A_52 = vector.load %arg6[%get3A_50, %get3A_51] : memref<1x513xf32, #tpu.memory_space<vmem>>, vector<1x513xf32>
    %add3A_53 = vector.broadcast %get3A_52 : vector<1x513xf32> to vector<512x513xf32>
    %add3A_54 = arith.addf %dot_general3A_49, %add3A_53 : vector<512x513xf32>
    %reduce_max3A_55 = arith.constant dense<0xFF800000> : vector<512xf32>
    %reduce_max3A_56 = vector.multi_reduction <maximumf>, %add3A_54, %reduce_max3A_55 [1] : vector<512x513xf32> to vector<512xf32>
    %broadcast_in_dim3A_57 = vector.shape_cast %reduce_max3A_56 : vector<512xf32> to vector<512x1xf32>
    %sub3A_58 = vector.broadcast %broadcast_in_dim3A_57 : vector<512x1xf32> to vector<512x513xf32>
    %sub3A_59 = arith.subf %add3A_54, %sub3A_58 : vector<512x513xf32>
    %exp3A_60 = math.exp %sub3A_59 : vector<512x513xf32>
    %reduce_sum3A_61 = arith.constant dense<0.000000e+00> : vector<512xf32>
    %reduce_sum3A_62 = vector.multi_reduction <add>, %exp3A_60, %reduce_sum3A_61 [1] : vector<512x513xf32> to vector<512xf32>
    %broadcast_in_dim3A_63 = vector.shape_cast %reduce_sum3A_62 : vector<512xf32> to vector<512x1xf32>
    %log3A_64 = math.log %broadcast_in_dim3A_63 : vector<512x1xf32>
    %add3A_65 = arith.addf %log3A_64, %broadcast_in_dim3A_57 : vector<512x1xf32>
    %sub3A_66 = vector.broadcast %add3A_65 : vector<512x1xf32> to vector<512x513xf32>
    %sub3A_67 = arith.subf %add3A_54, %sub3A_66 : vector<512x513xf32>
    %reshape3A_68 = vector.shape_cast %sub3A_67 : vector<512x513xf32> to vector<32x16x513xf32>
    %jit3A_69 = arith.constant 0.000000e+00 : f32
    %broadcast_in_dim3A_70 = vector.shape_cast %lt3A_17 : vector<32x16x1xi1> to vector<32x16x1xi1>
    %broadcast_in_dim3A_71 = vector.broadcast %broadcast_in_dim3A_70 : vector<32x16x1xi1> to vector<32x16x513xi1>
    %broadcast_in_dim3A_72 = vector.broadcast %jit3A_69 : f32 to vector<32x16x513xf32>
    %select_n3A_73 = arith.select %broadcast_in_dim3A_71, %reshape3A_68, %broadcast_in_dim3A_72 : vector<32x16x513xi1>, vector<32x16x513xf32>
    %swap3A_74 = arith.constant 1 : index
    %swap3A_75 = arith.constant 0 : index
    %swap3A_76 = arith.constant 0 : index
    %swap3A_77 = arith.constant 0 : index
    %swap3A_78 = vector.load %arg8[%swap3A_74, %swap3A_75, %swap3A_76, %swap3A_77] : memref<2x32x16x513xf32, #tpu.memory_space<vmem>>, vector<1x32x16x513xf32>
    %swap3A_79 = vector.shape_cast %swap3A_78 : vector<1x32x16x513xf32> to vector<32x16x513xf32>
    %swap3A_80 = vector.shape_cast %select_n3A_73 : vector<32x16x513xf32> to vector<1x32x16x513xf32>
    tpu.vector_store %arg8[%swap3A_74, %swap3A_75, %swap3A_76, %swap3A_77], %swap3A_80 {strides = array<i32>} : memref<2x32x16x513xf32, #tpu.memory_space<vmem>>, vector<1x32x16x513xf32>,
    return
  }
  func.func @transform_0(%arg0: i32) -> (i32, i32, i32) {
    %c0_i32 = arith.constant 0 : i32
    %c0_i32_0 = arith.constant 0 : i32
    %c0_i32_1 = arith.constant 0 : i32
    return %arg0, %c0_i32, %c0_i32_0 : i32, i32, i32
  }
  func.func @transform_1(%arg0: i32) -> (i32, i32, i32) {
    %c0_i32 = arith.constant 0 : i32
    %c0_i32_0 = arith.constant 0 : i32
    %c0_i32_1 = arith.constant 0 : i32
    return %arg0, %c0_i32, %c0_i32_0 : i32, i32, i32
  }
  func.func @transform_2(%arg0: i32) -> (i32, i32) {
    %c0_i32 = arith.constant 0 : i32
    %c0_i32_0 = arith.constant 0 : i32
    %c0_i32_1 = arith.constant 0 : i32
    return %c0_i32, %c0_i32_0 : i32, i32
  }
  func.func @transform_3(%arg0: i32) -> (i32, i32) {
    %c0_i32 = arith.constant 0 : i32
    %c0_i32_0 = arith.constant 0 : i32
    %c0_i32_1 = arith.constant 0 : i32
    return %c0_i32, %c0_i32_0 : i32, i32
  }
  func.func @transform_4(%arg0: i32) -> (i32, i32) {
    %c0_i32 = arith.constant 0 : i32
    %c0_i32_0 = arith.constant 0 : i32
    %c0_i32_1 = arith.constant 0 : i32
    return %c0_i32, %c0_i32_0 : i32, i32
  }
  func.func @transform_5(%arg0: i32) -> (i32, i32) {
    %c0_i32 = arith.constant 0 : i32
    %c0_i32_0 = arith.constant 0 : i32
    %c0_i32_1 = arith.constant 0 : i32
    return %c0_i32, %c0_i32_0 : i32, i32
  }
  func.func @transform_6(%arg0: i32) -> (i32, i32, i32) {
    %c0_i32 = arith.constant 0 : i32
    %c0_i32_0 = arith.constant 0 : i32
    %c0_i32_1 = arith.constant 0 : i32
    %c0_i32_2 = arith.constant 0 : i32
    return %c0_i32, %c0_i32_0, %c0_i32_1 : i32, i32, i32
  }
  func.func @transform_7(%arg0: i32) -> (i32, i32, i32, i32) {
    %c0_i32 = arith.constant 0 : i32
    %c0_i32_0 = arith.constant 0 : i32
    %c0_i32_1 = arith.constant 0 : i32
    %c0_i32_2 = arith.constant 0 : i32
    return %c0_i32, %arg0, %c0_i32_0, %c0_i32_1 : i32, i32, i32, i32
  }
}

</mosaic_0001>

<sc_bundles>
// kernel: kernel.6.cloned.1.call-start
scs
__scs_entry_jumppad:
0x0: {  	(pc) =	sbr.rel $0x88, $3  }
0x1: {  	(tag) =	ssettag $0x0;
	lr =	simm.s32 $0x1  }
0x2: {  	[smem:$0x3F90] =	sst lr;
	_ =	strace $0xD0000000  }
0x3: {  	_ = 	snop  }
0x4: {  	_ = 	snop  }
0x5: {  	_ = 	snop  }
0x6: {  	_ = 	snop  }
0x7: {  	_ = 	snop  }
__scs_overlays_trampoline_lowered:
0x8: {  	[smem:$0x3F9F] =	sst s0  }
0x9: {  	[smem:$0x3FA0] =	sst s1  }
0xa: {  	[smem:$0x3FA1] =	sst s2  }
0xb: {  	[smem:$0x3FA2] =	sst s3  }
0xc: {  	[smem:$0x3FA3] =	sst s4  }
0xd: {  	[smem:$0x3FA4] =	sst s5  }
0xe: {  	[smem:$0x3FA5] =	sst s6  }
0xf: {  	[smem:$0x3FA6] =	sst s7  }
0x10: {  	[smem:$0x3FA7] =	sst s8  }
0x11: {  	[smem:$0x3FA8] =	sst s9;
	s0 =	simm.s32 @!p0 $0x0  }
0x12: {  	s1 =	sld [smem:$0x3F8E];
	s0 =	simm.s32 @p0 $0x1  }
0x13: {  	[smem:$0x3FA9] =	sst s0;
	s0 =	simm.s32 @!p1 $0x0  }
0x14: {  	s2 =	sld [smem:$0x3F8D];
	s0 =	simm.s32 @p1 $0x1  }
0x15: {  	[smem:$0x3FAA] =	sst s0;
	s0 =	simm.s32 @!p2 $0x0  }
0x16: {  	s3 =	sld [smem:$0x3FDB];
	s0 =	simm.s32 @p2 $0x1  }
0x17: {  	s4 =	simm.s32 $0x1BF5;
	[smem:$0x3FAC] =	sst s0  }
0x18: {  	s0 =	sld [smem:$0x3F8F];
	_ =	swait.ge [sflag:s4], $0x0  }
0x19: {  	s7 =	sld [smem:$0x3F90]  }
0x1a: {  	s8 =	sadd.s32 $0xFFFFE003, lr  }
0x1b: {  	s9 =	sadd.s32 $0xFFFFFEF7, lr;
	s5 =	simm.s32 $0xFFFFFFFF;
	p2 =	slt.u32 s8, $0xFFFFF086  }
0x1c: {  	p1 =	slt.u32 s9, $0xF7A;
	s5 =	simm.s32 @!p2 $0x0  }
0x1d: {  	s5 =	simm.s32 @p1 $0x1;
	p0 =	seq.s32 s7, s2  }
0x1e: {  	s7 =	smul.u32 @!p0 $0xF7A, s2;
	p2 =	seq.s32 @!p0 s5, $0x0  }
0x1f: {  	s9 =	smul.u32 $0xF7A, s1;
	s8 =	simm.s32 @!p0 $0x1BF5;
	p2 =	por !p2, p0  }
0x20: {  	[sflag:s8] =	ssyncset.s32 @!p0 $0xFFFFF086;
	s6 =	sadd.s32 @!p0 s3, s7;
	s7 =	simm.s32 @!p0 $0x108  }
0x21: {  	s3 =	sadd.s32 s3, s9;
	s6 =	sadd.s32 @!p0 $0x88, s6;
	s7 =	simm.s32 @p2 $0x1082  }
0x22: {  	[simem:s7], [sflag:s8] =	dma.local @!p0 [hbm:s6], $0xF7A  }
0x23: {  	s9 =	sor.u32 $0xD0000000, s2;
	s6 =	simm.s32 $0x108;
	_ =	swait.ge @!p0 [sflag:s8], $0x0  }
0x24: {  	s3 =	sadd.s32 $0x88, s3;
	s6 =	simm.s32 @!p1 $0x1082;
	[sflag:s4] =	ssyncset.s32 $0xFFFFF086  }
0x25: {  	[simem:s6], [sflag:s4] =	dma.local [hbm:s3], $0xF7A  }
0x26: {  	[smem:$0x3F90] =	sst s1;
	(tag) =	ssettag s2;
	_ =	strace s9  }
0x27: {  	s1 =	sld [smem:$0x3FA0]  }
0x28: {  	s2 =	sld [smem:$0x3FA1]  }
0x29: {  	s4 =	sld [smem:$0x3FA3]  }
0x2a: {  	p0 =	seq.s32 s5, $0x0;
	s5 =	sld [smem:$0x3FA4]  }
0x2b: {  	s6 =	sld [smem:$0x3FA5]  }
0x2c: {  	s7 =	sld [smem:$0x3FA6]  }
0x2d: {  	s3 =	simm.s32 $0x108;
	s8 =	sld [smem:$0x3FA7]  }
0x2e: {  	s3 =	simm.s32 @!p0 $0x1082;
	s9 =	sld [smem:$0x3FA8]  }
0x2f: {  	lr =	sadd.s32 s0, s3;
	s0 =	sld [smem:$0x3F9F]  }
0x30: {  	s3 =	sld [smem:$0x3FA2]  }
0x31: {  	[smem:$0x3FAB] =	sst s10  }
0x32: {  	s10 =	sld [smem:$0x3FA9];
	_ =	sdelay $0x3  }
0x33: {  	p0 =	seq.s32 s10, $0x1;
	s10 =	sld [smem:$0x3FAB];
	_ =	sdelay $0x3  }
0x34: {  	[smem:$0x3FAB] =	sst s10  }
0x35: {  	s10 =	sld [smem:$0x3FAA];
	_ =	sdelay $0x3  }
0x36: {  	p1 =	seq.s32 s10, $0x1;
	s10 =	sld [smem:$0x3FAB];
	_ =	sdelay $0x3  }
0x37: {  	[smem:$0x3FAB] =	sst s10  }
0x38: {  	s10 =	sld [smem:$0x3FAC]  }
0x39: {  	_ = 	snop;
	(pc) =	sbr.ind lr, $3  }
0x3a: {  	_ = 	snop  }
0x3b: {  	_ = 	snop  }
0x3c: {  	p2 =	seq.s32 s10, $0x1;
	s10 =	sld [smem:$0x3FAB]  }
0x3d: {  	_ =	shalt  }
0x3e: {  	_ =	shalt  }
0x3f: {  	_ =	shalt  }
0x40: {  	_ =	shalt  }
0x41: {  	_ =	shalt  }
0x42: {  	_ =	shalt  }
0x43: {  	_ =	shalt  }
0x44: {  	_ =	shalt  }
0x45: {  	_ =	shalt  }
0x46: {  	_ =	shalt  }
0x47: {  	_ =	shalt  }
0x48: {  	_ =	shalt  }
0x49: {  	_ =	shalt  }
0x4a: {  	_ =	shalt  }
0x4b: {  	_ =	shalt  }
0x4c: {  	_ =	shalt  }
0x4d: {  	_ =	shalt  }
0x4e: {  	_ =	shalt  }
0x4f: {  	_ =	shalt  }
0x50: {  	_ =	shalt  }
0x51: {  	_ =	shalt  }
0x52: {  	_ =	shalt  }
0x53: {  	_ =	shalt  }
0x54: {  	_ =	shalt  }
0x55: {  	_ =	shalt  }
0x56: {  	_ =	shalt  }
0x57: {  	_ =	shalt  }
0x58: {  	_ =	shalt  }
0x59: {  	_ =	shalt  }
0x5a: {  	_ =	shalt  }
0x5b: {  	_ =	shalt  }
0x5c: {  	_ =	shalt  }
0x5d: {  	_ =	shalt  }
0x5e: {  	_ =	shalt  }
0x5f: {  	_ =	shalt  }
0x60: {  	_ =	shalt  }
0x61: {  	_ =	shalt  }
0x62: {  	_ =	shalt  }
0x63: {  	_ =	shalt  }
0x64: {  	_ =	shalt  }
0x65: {  	_ =	shalt  }
0x66: {  	_ =	shalt  }
0x67: {  	_ =	shalt  }
0x68: {  	_ =	shalt  }
0x69: {  	_ =	shalt  }
0x6a: {  	_ =	shalt  }
0x6b: {  	_ =	shalt  }
0x6c: {  	_ =	shalt  }
0x6d: {  	_ =	shalt  }
0x6e: {  	_ =	shalt  }
0x6f: {  	_ =	shalt  }
0x70: {  	_ =	shalt  }
0x71: {  	_ =	shalt  }
0x72: {  	_ =	shalt  }
0x73: {  	_ =	shalt  }
0x74: {  	_ =	shalt  }
0x75: {  	_ =	shalt  }
0x76: {  	_ =	shalt  }
0x77: {  	_ =	shalt  }
0x78: {  	_ =	shalt  }
0x79: {  	_ =	shalt  }
0x7a: {  	_ =	shalt  }
0x7b: {  	_ =	shalt  }
0x7c: {  	_ =	shalt  }
0x7d: {  	_ =	shalt  }
0x7e: {  	_ =	shalt  }
0x7f: {  	_ =	shalt  }
0x80: {  	_ =	shalt  }
0x81: {  	_ =	shalt  }
0x82: {  	_ =	shalt  }
0x83: {  	_ =	shalt  }
0x84: {  	_ =	shalt  }
0x85: {  	_ =	shalt  }
0x86: {  	_ =	shalt  }
0x87: {  	_ =	shalt  }
.Lfunc_end0:
.L_simem_size_0:
called_computation_lowered:
.L_overlay_start_0:
0x88: {  	s2 =	sld [smem:$0x3FD9]  }
0x89: {  	s3 =	sld [smem:$0x3FFE];
	_ =	sdelay $0x1  }
0x8a: {  	s1 =	srdreg.scid  }
0x8b: {  	s0 =	sand.u32 $0x1, s1  }
0x8c: {  	s17 =	sshll.u32 s0, $0xA;
	s2 =	sadd.s32 s3, s2  }
0x8d: {  	s2 =	sadd.s32 s2, s17  }
0x8e: {  	[smem:$0x3FB7] =	sst s2  }
0x8f: {  	_ = 	snop  }
0x90: {  	s2 =	sld [smem:$0x3FD0];
	(tm) =	ssettm $0x1  }
0x91: {  	s18 =	sld [smem:$0x3FFB];
	_ =	sdelay $0x3  }
0x92: {  	_ =	strace s18  }
0x93: {  	s3 =	sld [smem:$0x3FFC];
	_ =	sdelay $0x3  }
0x94: {  	_ =	strace s3  }
0x95: {  	s3 =	sld [smem:$0x3FFD];
	_ =	sdelay $0x3  }
0x96: {  	_ =	strace s3  }
0x97: {  	_ =	strace $0x8FFFFFFF  }
0x98: {  	s19 =	sld [smem:$0x3FDB];
	_ =	sdelay $0x1  }
0x99: {  	s4 =	simm.s32 $_scs_section_size  }
0x9a: {  	s5 =	simm.s32 $_size__tile_overlayer_lowered;
	s6 =	simm.s32 $_tile_overlayer_lowered  }
0x9b: {  	s22 =	simm.s32 $0x1BFF;
	s21 =	sshll.u32 s6, $0x1;
	s3 =	sadd.s32 s4, s19  }
0x9c: {  	s7 =	simm.s32 $0x0;
	s20 =	sshll.u32 s5, $0x1;
	s5 =	sadd.s32 s21, s3  }
0x9d: {  	[timem:s7], [sflag:s22] =	dma.local [hbm:s5], s20  }
0x9e: {  	_ =	swait.ge [sflag:s22], s20  }
0x9f: {  	s4 =	ssub.s32 $0x0, s20;
	[sflag:s22] =	ssyncset.done $0x0  }
0xa0: {  	[sflag:s22] =	ssyncadd.s32 s4;
	_ =	sdelay $0x1  }
0xa1: {  	s23 =	simm.s32 $0x1B8B  }
0xa2: {  	_ =	swait.ge [sflag:s23], $0x1  }
0xa3: {  	[sflag:s23] =	ssyncset.done $0x0  }
0xa4: {  	s25 =	simm.s32 $0x1B8E;
	s24 =	sld [smem:$0x3FFE];
	[sflag:s23] =	ssyncadd.s32 $0xFFFFFFFF  }
0xa5: {  	s26 =	simm.s32 $execute0_lowered;
	[smem:$0x3FD2] =	sst s25  }
0xa6: {  	s5 =	sshll.u32 s26, $0x1;
	_ =	strace $0x80000046;
	[dreg:$0x1] =	wrdreg $0xFFFFFFFF  }
0xa7: {  	s28 =	simm.s32 $_size_execute0_lowered;
	s3 =	sadd.s32 s3, s5;
	[dreg:$0x0] =	wrdreg $0x0  }
0xa8: {  	s5 =	sshll.u32 s28, $0x1;
	[dreg:$0x2] =	wrdreg s3  }
0xa9: {  	[dreg:$0x3] =	wrdreg s5  }
0xaa: {  	[dreg:$0x4] =	wrdreg $0xC0  }
0xab: {  	_ =	task [dreg:s7], $0x5FFFF  }
0xac: {  	[dreg:$0x1] =	wrdreg $0xFFFFFFFF  }
0xad: {  	[dreg:$0x0] =	wrdreg $0x60  }
0xae: {  	[dreg:$0x2] =	wrdreg s24  }
0xaf: {  	[dreg:$0x3] =	wrdreg s2  }
0xb0: {  	[dreg:$0x4] =	wrdreg $0x9  }
0xb1: {  	_ =	task.clear_ibuf [dreg:s7], $0x5FFFF;
	_ =	strace $0x90000046  }
0xb2: {  	s29 =	simm.s32 $0x9;
	_ =	strace $0x80000048  }
0xb3: {  	_ =	swait.ge [sflag:s29], $0x1  }
0xb4: {  	[sflag:s29] =	ssyncadd.s32 $0xFFFFFFFF  }
0xb5: {  	_ =	strace $0x90000048  }
0xb6: {  	_ =	sfence  }
0xb7: {  	s30 =	sld [smem:$0x0];
	_ =	sdelay $0x2  }
0xb8: {  	s31 =	sshll.u32 s1, $0xD;
	s1 =	sshrl.u32 s1, $0x2  }
0xb9: {  	s3 =	sand.u32 $0x4000, s31;
	s1 =	sadd.s32 s1, s30  }
0xba: {  	s0 =	sor.u32 s3, s0;
	s1 =	sshll.u32 s1, $0x11  }
0xbb: {  	s0 =	sor.u32 s1, s0  }
0xbc: {  	s0 =	sadd.s32 $0x8F2B, s0  }
0xbd: {  	[sflag:s0] =	ssyncadd.remote.s32 $0x1  }
0xbe: {  	_ =	sfence.sel $0xFFFF  }
0xbf: {  	[dreg:$0x0] =	wrdreg $0xFFFFFFFF;
	(pc) =	sbr.abs _section_cstart, $3  }
0xc0: {  	[dreg:$0x1] =	wrdreg $0xFFFFFFFF  }
0xc1: {  	_ =	task.clear_ibuf [dreg:s7], $0x2FFFF;
	_ =	strace $0x9FFFFFFF  }
0xc2: {  	(tm) =	ssettm $0x7FFFFFFF  }
0xc3: {  	_ =	shalt  }
tec
execute0_lowered:
.L_overlay_start_1:
0x0: {  	(tag) =	ssettag $0x1  }
0x1: {  	s1 =	srdreg.scid;
	s0 =	stileid.u32  }
0x2: {  	s1 =	sand.u32 $0x1, s1;
	s2 =	sshll.u32 s0, $0x1  }
0x3: {  	s12 =	sor.u32 s1, s2  }
0x4: {  	s20 =	rddreg [dreg:$0x0];
	s24 =	smul.u32 $0x108, s12  }
0x5: {  	s29 =	rddreg [dreg:$0x1];
	s23 =	sadd.s32 $0x5A00, s20  }
0x6: {  	[dreg:$0x5] =	wrdreg s1;
	s2 =	simm.s32 $0x0;
	s10 =	sshrl.u32 s24, $0x3  }
0x7: {  	s25 =	sadd.s32 $0x2C00, s20;
	[smem:$0x7FF] =	sst s2;
	s3 =	sadd.s32 s23, s10  }
0x8: {  	_ =	strace $0x80000047;
	s0 =	sadd.s32 s25, s10;
	[dreg:$0x3] =	wrdreg s3  }
0x9: {  	[dreg:$0x4] =	wrdreg s0  }
0xa: {  	s3 =	simm.s32 $0x3;
	s4 =	rddreg [dreg:$0x3]  }
0xb: {  	[tilespmem:s2], [sflag:$0x3] =	stream.linear.gather [hbm4b:s4+s2], $0x58, $0x38;
	[tilespmem:$0xB200] =	vst v63  }
0xc: {  	_ =	swait.ge [sflag:s3], $0x58  }
0xd: {  	s5 =	simm.s32 $0x58;
	[sflag:s3] =	ssyncset.done $0x0  }
0xe: {  	s6 =	simm.s32 $0x200;
	s4 =	sadd.s32 $0x3800, s20;
	[sflag:s3] =	ssyncadd.s32 $0xFFFFFFA8  }
0xf: {  	[tilespmem:s6], [sflag:$0x1] =	stream.indirect.gather [hbm4b:s4+s5], $0x80, s2, s5, $0xb8;
	[tilespmem:$0xB200] =	vst v63  }
0x10: {  	s7 =	simm.s32 $0x80;
	s8 =	rddreg [dreg:$0x4]  }
0x11: {  	[tilespmem:s7], [sflag:$0x3] =	stream.linear.gather [hbm4b:s8+s2], $0x58, $0x38;
	[tilespmem:$0xB200] =	vst v63  }
0x12: {  	_ =	swait.ge [sflag:s3], $0x58  }
0x13: {  	[sflag:s3] =	ssyncset.done $0x0  }
0x14: {  	s9 =	simm.s32 $0x1;
	s8 =	simm.s32 $0x2E00;
	[sflag:s3] =	ssyncadd.s32 $0xFFFFFFA8  }
0x15: {  	[tilespmem:s8], [sflag:$0x1] =	stream.indirect.gather [hbm4b:s4+s5], $0x80, s7, s5, $0xb8;
	[tilespmem:$0xB200] =	vst v63  }
0x16: {  	_ =	swait.ge [sflag:s9], $0x2C00  }
0x17: {  	s28 =	sadd.s32 $0x3200, s20;
	[sflag:s9] =	ssyncset.done $0x0  }
0x18: {  	s11 =	simm.s32 $0x100;
	s10 =	sadd.s32 s28, s10;
	[sflag:s9] =	ssyncadd.s32 $0xFFFFD400  }
0x19: {  	[tilespmem:s11], [sflag:$0x3] =	stream.linear.gather [hbm4b:s10+s2], $0x58, $0x38;
	[tilespmem:$0xB200] =	vst v63  }
0x1a: {  	_ =	swait.ge [sflag:s3], $0x58  }
0x1b: {  	[sflag:s3] =	ssyncset.done $0x0  }
0x1c: {  	s21 =	smul.u32 $0x1080, s12;
	s12 =	simm.s32 $0x5A00;
	[sflag:s3] =	ssyncadd.s32 $0xFFFFFFA8  }
0x1d: {  	[tilespmem:s12], [sflag:$0x1] =	stream.indirect.gather [hbm4b:s4+s5], $0x80, s11, s5, $0xb8;
	[tilespmem:$0xB200] =	vst v63  }
0x1e: {  	s13 =	sadd.s32 s29, s21  }
0x1f: {  	[hbm4b:s13+s2] =	stream.linear.scatter [tilespmem:s6], [sflag:$0x2], $0x2C00, $0x38;
	[tilespmem:$0xB200] =	vst v63  }
0x20: {  	s22 =	sadd.s32 $0x58, s24;
	_ =	swait.ge [sflag:s9], $0x2C00  }
0x21: {  	s26 =	sshrl.u32 s22, $0x3;
	[sflag:s9] =	ssyncset.done $0x0  }
0x22: {  	s15 =	simm.s32 $0x180;
	s14 =	sadd.s32 s23, s26;
	[sflag:s9] =	ssyncadd.s32 $0xFFFFD400  }
0x23: {  	[tilespmem:s15], [sflag:$0x3] =	stream.linear.gather [hbm4b:s14+s2], $0x58, $0x38;
	[tilespmem:$0xB200] =	vst v63  }
0x24: {  	_ =	swait.ge [sflag:s3], $0x58  }
0x25: {  	[sflag:s3] =	ssyncset.done $0x0  }
0x26: {  	s16 =	simm.s32 $0x8600;
	s30 =	sadd.s32 $0x6000, s20;
	[sflag:s3] =	ssyncadd.s32 $0xFFFFFFA8  }
0x27: {  	[tilespmem:s16], [sflag:$0x1] =	stream.indirect.gather [hbm4b:s4+s5], $0x80, s15, s5, $0xb8;
	[tilespmem:$0xB200] =	vst v63  }
0x28: {  	s17 =	sadd.s32 s30, s21  }
0x29: {  	[hbm4b:s17+s2] =	stream.linear.scatter [tilespmem:s8], [sflag:$0x2], $0x2C00, $0x38;
	[tilespmem:$0xB200] =	vst v63  }
0x2a: {  	_ =	swait.ge [sflag:s9], $0x2C00  }
0x2b: {  	[sflag:s9] =	ssyncset.done $0x0  }
0x2c: {  	s18 =	simm.s32 $0x2;
	[sflag:s9] =	ssyncadd.s32 $0xFFFFD400  }
0x2d: {  	_ =	swait.ge [sflag:s18], $0x2C00  }
0x2e: {  	[sflag:s18] =	ssyncset.done $0x0  }
0x2f: {  	s19 =	sadd.s32 s25, s26;
	[sflag:s18] =	ssyncadd.s32 $0xFFFFD400  }
0x30: {  	[tilespmem:s2], [sflag:$0x3] =	stream.linear.gather [hbm4b:s19+s2], $0x58, $0x38;
	[tilespmem:$0xB200] =	vst v63  }
0x31: {  	_ =	swait.ge [sflag:s3], $0x58  }
0x32: {  	[sflag:s3] =	ssyncset.done $0x0  }
0x33: {  	s31 =	sadd.s32 $0x27000, s20;
	[sflag:s3] =	ssyncadd.s32 $0xFFFFFFA8  }
0x34: {  	[tilespmem:s6], [sflag:$0x1] =	stream.indirect.gather [hbm4b:s4+s5], $0x80, s2, s5, $0xb8;
	[tilespmem:$0xB200] =	vst v63  }
0x35: {  	s20 =	sadd.s32 s31, s21  }
0x36: {  	[hbm4b:s20+s2] =	stream.linear.scatter [tilespmem:s12], [sflag:$0x2], $0x2C00, $0x38;
	[tilespmem:$0xB200] =	vst v63  }
0x37: {  	_ =	swait.ge [sflag:s9], $0x2C00  }
0x38: {  	[sflag:s9] =	ssyncset.done $0x0  }
0x39: {  	[sflag:s9] =	ssyncadd.s32 $0xFFFFD400  }
0x3a: {  	_ =	swait.ge [sflag:s18], $0x2C00  }
0x3b: {  	[sflag:s18] =	ssyncset.done $0x0  }
0x3c: {  	s21 =	sadd.s32 s28, s26;
	[sflag:s18] =	ssyncadd.s32 $0xFFFFD400  }
0x3d: {  	[tilespmem:s7], [sflag:$0x3] =	stream.linear.gather [hbm4b:s21+s2], $0x58, $0x38;
	[tilespmem:$0xB200] =	vst v63  }
0x3e: {  	_ =	swait.ge [sflag:s3], $0x58  }
0x3f: {  	[sflag:s3] =	ssyncset.done $0x0  }
0x40: {  	s26 =	sshll.u32 s22, $0x4;
	[sflag:s3] =	ssyncadd.s32 $0xFFFFFFA8  }
0x41: {  	[tilespmem:s8], [sflag:$0x1] =	stream.indirect.gather [hbm4b:s4+s5], $0x80, s7, s5, $0xb8;
	[tilespmem:$0xB200] =	vst v63  }
0x42: {  	s22 =	sadd.s32 s29, s26  }
0x43: {  	[hbm4b:s22+s2] =	stream.linear.scatter [tilespmem:s16], [sflag:$0x2], $0x2C00, $0x38;
	[tilespmem:$0xB200] =	vst v63  }
0x44: {  	_ =	swait.ge [sflag:s9], $0x2C00  }
0x45: {  	[sflag:s9] =	ssyncset.done $0x0  }
0x46: {  	[sflag:s9] =	ssyncadd.s32 $0xFFFFD400  }
0x47: {  	s1 =	sadd.s32 $0xB0, s24;
	_ =	swait.ge [sflag:s18], $0x2C00  }
0x48: {  	s0 =	sshrl.u32 s1, $0x3;
	[sflag:s18] =	ssyncset.done $0x0  }
0x49: {  	s23 =	sadd.s32 s23, s0;
	[sflag:s18] =	ssyncadd.s32 $0xFFFFD400  }
0x4a: {  	[tilespmem:s11], [sflag:$0x3] =	stream.linear.gather [hbm4b:s23+s2], $0x58, $0x38;
	[tilespmem:$0xB200] =	vst v63  }
0x4b: {  	_ =	swait.ge [sflag:s3], $0x58  }
0x4c: {  	[sflag:s3] =	ssyncset.done $0x0  }
0x4d: {  	[sflag:s3] =	ssyncadd.s32 $0xFFFFFFA8  }
0x4e: {  	[tilespmem:s12], [sflag:$0x1] =	stream.indirect.gather [hbm4b:s4+s5], $0x80, s11, s5, $0xb8;
	[tilespmem:$0xB200] =	vst v63  }
0x4f: {  	s24 =	sadd.s32 s30, s26  }
0x50: {  	[hbm4b:s24+s2] =	stream.linear.scatter [tilespmem:s6], [sflag:$0x2], $0x2C00, $0x38;
	[tilespmem:$0xB200] =	vst v63  }
0x51: {  	_ =	swait.ge [sflag:s9], $0x2C00  }
0x52: {  	[sflag:s9] =	ssyncset.done $0x0  }
0x53: {  	[sflag:s9] =	ssyncadd.s32 $0xFFFFD400  }
0x54: {  	_ =	swait.ge [sflag:s18], $0x2C00  }
0x55: {  	[sflag:s18] =	ssyncset.done $0x0  }
0x56: {  	s25 =	sadd.s32 s25, s0;
	[sflag:s18] =	ssyncadd.s32 $0xFFFFD400  }
0x57: {  	[tilespmem:s15], [sflag:$0x3] =	stream.linear.gather [hbm4b:s25+s2], $0x58, $0x38;
	[tilespmem:$0xB200] =	vst v63  }
0x58: {  	_ =	swait.ge [sflag:s3], $0x58  }
0x59: {  	[sflag:s3] =	ssyncset.done $0x0  }
0x5a: {  	[sflag:s3] =	ssyncadd.s32 $0xFFFFFFA8  }
0x5b: {  	[tilespmem:s16], [sflag:$0x1] =	stream.indirect.gather [hbm4b:s4+s5], $0x80, s15, s5, $0xb8;
	[tilespmem:$0xB200] =	vst v63  }
0x5c: {  	s26 =	sadd.s32 s31, s26  }
0x5d: {  	[hbm4b:s26+s2] =	stream.linear.scatter [tilespmem:s8], [sflag:$0x2], $0x2C00, $0x38;
	[tilespmem:$0xB200] =	vst v63  }
0x5e: {  	_ =	swait.ge [sflag:s9], $0x2C00  }
0x5f: {  	[sflag:s9] =	ssyncset.done $0x0  }
0x60: {  	[sflag:s9] =	ssyncadd.s32 $0xFFFFD400  }
0x61: {  	_ =	swait.ge [sflag:s18], $0x2C00  }
0x62: {  	[sflag:s18] =	ssyncset.done $0x0  }
0x63: {  	s28 =	sadd.s32 s28, s0;
	[sflag:s18] =	ssyncadd.s32 $0xFFFFD400  }
0x64: {  	[tilespmem:s2], [sflag:$0x3] =	stream.linear.gather [hbm4b:s28+s2], $0x58, $0x38;
	[tilespmem:$0xB200] =	vst v63  }
0x65: {  	_ =	swait.ge [sflag:s3], $0x58  }
0x66: {  	[sflag:s3] =	ssyncset.done $0x0  }
0x67: {  	s1 =	sshll.u32 s1, $0x4;
	[sflag:s3] =	ssyncadd.s32 $0xFFFFFFA8  }
0x68: {  	[tilespmem:s6], [sflag:$0x1] =	stream.indirect.gather [hbm4b:s4+s5], $0x80, s2, s5, $0xb8;
	[tilespmem:$0xB200] =	vst v63  }
0x69: {  	s29 =	sadd.s32 s29, s1  }
0x6a: {  	[hbm4b:s29+s2] =	stream.linear.scatter [tilespmem:s12], [sflag:$0x2], $0x2C00, $0x38;
	[tilespmem:$0xB200] =	vst v63  }
0x6b: {  	_ =	swait.ge [sflag:s9], $0x2C00  }
0x6c: {  	[sflag:s9] =	ssyncset.done $0x0  }
0x6d: {  	[sflag:s9] =	ssyncadd.s32 $0xFFFFD400  }
0x6e: {  	_ =	swait.ge [sflag:s18], $0x2C00  }
0x6f: {  	[sflag:s18] =	ssyncset.done $0x0  }
0x70: {  	s30 =	sadd.s32 s30, s1;
	[sflag:s18] =	ssyncadd.s32 $0xFFFFD400  }
0x71: {  	[hbm4b:s30+s2] =	stream.linear.scatter [tilespmem:s16], [sflag:$0x2], $0x2C00, $0x38;
	[tilespmem:$0xB200] =	vst v63  }
0x72: {  	_ =	swait.ge [sflag:s9], $0x2C00  }
0x73: {  	[sflag:s9] =	ssyncset.done $0x0  }
0x74: {  	[sflag:s9] =	ssyncadd.s32 $0xFFFFD400  }
0x75: {  	_ =	swait.ge [sflag:s18], $0x2C00  }
0x76: {  	s31 =	sadd.s32 s31, s1;
	[sflag:s18] =	ssyncset.done $0x0;
	s1 =	rddreg [dreg:$0x5]  }
0x77: {  	s0 =	ssub.s32 $0x2, s1;
	[sflag:s18] =	ssyncadd.s32 $0xFFFFD400  }
0x78: {  	[hbm4b:s31+s2] =	stream.linear.scatter [tilespmem:s6], [sflag:$0x2], $0x2C00, $0x38;
	[tilespmem:$0xB200] =	vst v63  }
0x79: {  	s1 =	sshrl.u32 s0, $0x1  }
0x7a: {  	s0 =	ssub.s32 s0, s1  }
0x7b: {  	s0 =	smax.u32 s0, $0x1  }
0x7c: {  	p0 =	sne.s32 s0, $0x1  }
.Ltmp0:
0x7d: {  	_ =	swait.ge [sflag:s18], $0x2C00;
	(pc) =	sbr.rel @!p0 .LBB2_2-.Ltmp0, $4  }
0x7e: {  	[sflag:s18] =	ssyncset.done $0x0  }
0x7f: {  	[sflag:s18] =	ssyncadd.s32 $0xFFFFD400  }
0x80: {  	_ =	swait.ge [sflag:s18], $0x2C00  }
0x81: {  	s1 =	sadd.s32 $0xFFFFFFFF, s0;
	[sflag:s18] =	ssyncset.done $0x0  }
.LBB2_1:
0x82: {  	s0 =	rddreg [dreg:$0x3];
	[sflag:s18] =	ssyncadd.s32 $0xFFFFD400  }
0x83: {  	[tilespmem:s2], [sflag:$0x3] =	stream.linear.gather [hbm4b:s0+s2], $0x58, $0x38;
	[tilespmem:$0xB200] =	vst v63  }
0x84: {  	_ =	swait.ge [sflag:s3], $0x58  }
0x85: {  	[sflag:s3] =	ssyncset.done $0x0  }
0x86: {  	[sflag:s3] =	ssyncadd.s32 $0xFFFFFFA8  }
0x87: {  	[tilespmem:s6], [sflag:$0x1] =	stream.indirect.gather [hbm4b:s4+s5], $0x80, s2, s5, $0xb8;
	[tilespmem:$0xB200] =	vst v63  }
0x88: {  	s0 =	rddreg [dreg:$0x4]  }
0x89: {  	[tilespmem:s7], [sflag:$0x3] =	stream.linear.gather [hbm4b:s0+s2], $0x58, $0x38;
	[tilespmem:$0xB200] =	vst v63  }
0x8a: {  	_ =	swait.ge [sflag:s3], $0x58  }
0x8b: {  	[sflag:s3] =	ssyncset.done $0x0  }
0x8c: {  	[sflag:s3] =	ssyncadd.s32 $0xFFFFFFA8  }
0x8d: {  	[tilespmem:s8], [sflag:$0x1] =	stream.indirect.gather [hbm4b:s4+s5], $0x80, s7, s5, $0xb8;
	[tilespmem:$0xB200] =	vst v63  }
0x8e: {  	_ =	swait.ge [sflag:s9], $0x2C00  }
0x8f: {  	[sflag:s9] =	ssyncset.done $0x0  }
0x90: {  	[sflag:s9] =	ssyncadd.s32 $0xFFFFD400  }
0x91: {  	[tilespmem:s11], [sflag:$0x3] =	stream.linear.gather [hbm4b:s10+s2], $0x58, $0x38;
	[tilespmem:$0xB200] =	vst v63  }
0x92: {  	_ =	swait.ge [sflag:s3], $0x58  }
0x93: {  	[sflag:s3] =	ssyncset.done $0x0  }
0x94: {  	[sflag:s3] =	ssyncadd.s32 $0xFFFFFFA8  }
0x95: {  	[tilespmem:s12], [sflag:$0x1] =	stream.indirect.gather [hbm4b:s4+s5], $0x80, s11, s5, $0xb8;
	[tilespmem:$0xB200] =	vst v63  }
0x96: {  	_ = 	snop  }
0x97: {  	[hbm4b:s13+s2] =	stream.linear.scatter [tilespmem:s6], [sflag:$0x2], $0x2C00, $0x38;
	[tilespmem:$0xB200] =	vst v63  }
0x98: {  	_ =	swait.ge [sflag:s9], $0x2C00  }
0x99: {  	[sflag:s9] =	ssyncset.done $0x0  }
0x9a: {  	[sflag:s9] =	ssyncadd.s32 $0xFFFFD400  }
0x9b: {  	[tilespmem:s15], [sflag:$0x3] =	stream.linear.gather [hbm4b:s14+s2], $0x58, $0x38;
	[tilespmem:$0xB200] =	vst v63  }
0x9c: {  	_ =	swait.ge [sflag:s3], $0x58  }
0x9d: {  	[sflag:s3] =	ssyncset.done $0x0  }
0x9e: {  	[sflag:s3] =	ssyncadd.s32 $0xFFFFFFA8  }
0x9f: {  	[tilespmem:s16], [sflag:$0x1] =	stream.indirect.gather [hbm4b:s4+s5], $0x80, s15, s5, $0xb8;
	[tilespmem:$0xB200] =	vst v63  }
0xa0: {  	_ = 	snop  }
0xa1: {  	[hbm4b:s17+s2] =	stream.linear.scatter [tilespmem:s8], [sflag:$0x2], $0x2C00, $0x38;
	[tilespmem:$0xB200] =	vst v63  }
0xa2: {  	_ =	swait.ge [sflag:s9], $0x2C00  }
0xa3: {  	[sflag:s9] =	ssyncset.done $0x0  }
0xa4: {  	[sflag:s9] =	ssyncadd.s32 $0xFFFFD400  }
0xa5: {  	_ =	swait.ge [sflag:s18], $0x2C00  }
0xa6: {  	[sflag:s18] =	ssyncset.done $0x0  }
0xa7: {  	[sflag:s18] =	ssyncadd.s32 $0xFFFFD400  }
0xa8: {  	[tilespmem:s2], [sflag:$0x3] =	stream.linear.gather [hbm4b:s19+s2], $0x58, $0x38;
	[tilespmem:$0xB200] =	vst v63  }
0xa9: {  	_ =	swait.ge [sflag:s3], $0x58  }
0xaa: {  	[sflag:s3] =	ssyncset.done $0x0  }
0xab: {  	[sflag:s3] =	ssyncadd.s32 $0xFFFFFFA8  }
0xac: {  	[tilespmem:s6], [sflag:$0x1] =	stream.indirect.gather [hbm4b:s4+s5], $0x80, s2, s5, $0xb8;
	[tilespmem:$0xB200] =	vst v63  }
0xad: {  	_ = 	snop  }
0xae: {  	[hbm4b:s20+s2] =	stream.linear.scatter [tilespmem:s12], [sflag:$0x2], $0x2C00, $0x38;
	[tilespmem:$0xB200] =	vst v63  }
0xaf: {  	_ =	swait.ge [sflag:s9], $0x2C00  }
0xb0: {  	[sflag:s9] =	ssyncset.done $0x0  }
0xb1: {  	[sflag:s9] =	ssyncadd.s32 $0xFFFFD400  }
0xb2: {  	_ =	swait.ge [sflag:s18], $0x2C00  }
0xb3: {  	[sflag:s18] =	ssyncset.done $0x0  }
0xb4: {  	[sflag:s18] =	ssyncadd.s32 $0xFFFFD400  }
0xb5: {  	[tilespmem:s7], [sflag:$0x3] =	stream.linear.gather [hbm4b:s21+s2], $0x58, $0x38;
	[tilespmem:$0xB200] =	vst v63  }
0xb6: {  	_ =	swait.ge [sflag:s3], $0x58  }
0xb7: {  	[sflag:s3] =	ssyncset.done $0x0  }
0xb8: {  	[sflag:s3] =	ssyncadd.s32 $0xFFFFFFA8  }
0xb9: {  	[tilespmem:s8], [sflag:$0x1] =	stream.indirect.gather [hbm4b:s4+s5], $0x80, s7, s5, $0xb8;
	[tilespmem:$0xB200] =	vst v63  }
0xba: {  	_ = 	snop  }
0xbb: {  	[hbm4b:s22+s2] =	stream.linear.scatter [tilespmem:s16], [sflag:$0x2], $0x2C00, $0x38;
	[tilespmem:$0xB200] =	vst v63  }
0xbc: {  	_ =	swait.ge [sflag:s9], $0x2C00  }
0xbd: {  	[sflag:s9] =	ssyncset.done $0x0  }
0xbe: {  	[sflag:s9] =	ssyncadd.s32 $0xFFFFD400  }
0xbf: {  	_ =	swait.ge [sflag:s18], $0x2C00  }
0xc0: {  	[sflag:s18] =	ssyncset.done $0x0  }
0xc1: {  	[sflag:s18] =	ssyncadd.s32 $0xFFFFD400  }
0xc2: {  	[tilespmem:s11], [sflag:$0x3] =	stream.linear.gather [hbm4b:s23+s2], $0x58, $0x38;
	[tilespmem:$0xB200] =	vst v63  }
0xc3: {  	_ =	swait.ge [sflag:s3], $0x58  }
0xc4: {  	[sflag:s3] =	ssyncset.done $0x0  }
0xc5: {  	[sflag:s3] =	ssyncadd.s32 $0xFFFFFFA8  }
0xc6: {  	[tilespmem:s12], [sflag:$0x1] =	stream.indirect.gather [hbm4b:s4+s5], $0x80, s11, s5, $0xb8;
	[tilespmem:$0xB200] =	vst v63  }
0xc7: {  	_ = 	snop  }
0xc8: {  	[hbm4b:s24+s2] =	stream.linear.scatter [tilespmem:s6], [sflag:$0x2], $0x2C00, $0x38;
	[tilespmem:$0xB200] =	vst v63  }
0xc9: {  	_ =	swait.ge [sflag:s9], $0x2C00  }
0xca: {  	[sflag:s9] =	ssyncset.done $0x0  }
0xcb: {  	[sflag:s9] =	ssyncadd.s32 $0xFFFFD400  }
0xcc: {  	_ =	swait.ge [sflag:s18], $0x2C00  }
0xcd: {  	[sflag:s18] =	ssyncset.done $0x0  }
0xce: {  	[sflag:s18] =	ssyncadd.s32 $0xFFFFD400  }
0xcf: {  	[tilespmem:s15], [sflag:$0x3] =	stream.linear.gather [hbm4b:s25+s2], $0x58, $0x38;
	[tilespmem:$0xB200] =	vst v63  }
0xd0: {  	_ =	swait.ge [sflag:s3], $0x58  }
0xd1: {  	[sflag:s3] =	ssyncset.done $0x0  }
0xd2: {  	[sflag:s3] =	ssyncadd.s32 $0xFFFFFFA8  }
0xd3: {  	[tilespmem:s16], [sflag:$0x1] =	stream.indirect.gather [hbm4b:s4+s5], $0x80, s15, s5, $0xb8;
	[tilespmem:$0xB200] =	vst v63  }
0xd4: {  	_ = 	snop  }
0xd5: {  	[hbm4b:s26+s2] =	stream.linear.scatter [tilespmem:s8], [sflag:$0x2], $0x2C00, $0x38;
	[tilespmem:$0xB200] =	vst v63  }
0xd6: {  	_ =	swait.ge [sflag:s9], $0x2C00  }
0xd7: {  	[sflag:s9] =	ssyncset.done $0x0  }
0xd8: {  	[sflag:s9] =	ssyncadd.s32 $0xFFFFD400  }
0xd9: {  	_ =	swait.ge [sflag:s18], $0x2C00  }
0xda: {  	[sflag:s18] =	ssyncset.done $0x0  }
0xdb: {  	[sflag:s18] =	ssyncadd.s32 $0xFFFFD400  }
0xdc: {  	[tilespmem:s2], [sflag:$0x3] =	stream.linear.gather [hbm4b:s28+s2], $0x58, $0x38;
	[tilespmem:$0xB200] =	vst v63  }
0xdd: {  	_ =	swait.ge [sflag:s3], $0x58  }
0xde: {  	[sflag:s3] =	ssyncset.done $0x0  }
0xdf: {  	[sflag:s3] =	ssyncadd.s32 $0xFFFFFFA8  }
0xe0: {  	[tilespmem:s6], [sflag:$0x1] =	stream.indirect.gather [hbm4b:s4+s5], $0x80, s2, s5, $0xb8;
	[tilespmem:$0xB200] =	vst v63  }
0xe1: {  	_ = 	snop  }
0xe2: {  	[hbm4b:s29+s2] =	stream.linear.scatter [tilespmem:s12], [sflag:$0x2], $0x2C00, $0x38;
	[tilespmem:$0xB200] =	vst v63  }
0xe3: {  	_ =	swait.ge [sflag:s9], $0x2C00  }
0xe4: {  	[sflag:s9] =	ssyncset.done $0x0  }
0xe5: {  	[sflag:s9] =	ssyncadd.s32 $0xFFFFD400  }
0xe6: {  	_ =	swait.ge [sflag:s18], $0x2C00  }
0xe7: {  	[sflag:s18] =	ssyncset.done $0x0  }
0xe8: {  	[sflag:s18] =	ssyncadd.s32 $0xFFFFD400  }
0xe9: {  	[hbm4b:s30+s2] =	stream.linear.scatter [tilespmem:s16], [sflag:$0x2], $0x2C00, $0x38;
	[tilespmem:$0xB200] =	vst v63  }
0xea: {  	_ =	swait.ge [sflag:s9], $0x2C00  }
0xeb: {  	[sflag:s9] =	ssyncset.done $0x0  }
0xec: {  	[sflag:s9] =	ssyncadd.s32 $0xFFFFD400  }
0xed: {  	_ =	swait.ge [sflag:s18], $0x2C00  }
0xee: {  	[sflag:s18] =	ssyncset.done $0x0  }
0xef: {  	p0 =	sne.s32 s1, $0x1;
	[sflag:s18] =	ssyncadd.s32 $0xFFFFD400  }
0xf0: {  	[hbm4b:s31+s2] =	stream.linear.scatter [tilespmem:s6], [sflag:$0x2], $0x2C00, $0x38;
	[tilespmem:$0xB200] =	vst v63  }
.Ltmp1:
0xf1: {  	_ =	swait.ge [sflag:s18], $0x2C00;
	(pc) =	sbr.rel @p0 .LBB2_1-.Ltmp1, $4  }
0xf2: {  	[sflag:s18] =	ssyncset.done $0x0  }
0xf3: {  	[sflag:s18] =	ssyncadd.s32 $0xFFFFD400  }
0xf4: {  	_ =	swait.ge [sflag:s18], $0x2C00  }
0xf5: {  	s1 =	sadd.s32 $0xFFFFFFFF, s1;
	[sflag:s18] =	ssyncset.done $0x0  }
.LBB2_2:
0xf6: {  	[sflag:s18] =	ssyncadd.s32 $0xFFFFD400  }
0xf7: {  	_ =	sfence.sel $0x180000  }
0xf8: {  	[bflag:$0x0] =	sbarrier.arrive $0xFFFF  }
0xf9: {  	_ =	strace $0x90000047  }
0xfa: {  	s0 =	stileid.u32;
	[bflag:$0x2] =	sbarrier.arrive $0xFFFF  }
0xfb: {  	p0 =	sne.s32 s0, $0x0;
	s0 =	rddreg [dreg:$0x2]  }
0xfc: {  	s0 =	sadd.s32 @!p0 $0x100000, s0  }
0xfd: {  	[sflag:s0] =	ssyncadd.tile.s32 @!p0 $0x1;
	_ =	shalt  }
.Lfunc_end2:
_tile_overlayer_lowered:
.L_overlay_start_2:
0xfe: {  	(tag) =	ssettag $0x2  }
0xff: {  	s0 =	rddreg [dreg:$0x0];
	s2 =	stileid.u32  }
0x100: {  	s1 =	rddreg [dreg:$0x1];
	p0 =	sne.s32 s2, $0x0  }
0x101: {  	s3 =	rddreg [dreg:$0x2];
	[bflag:$0x3] =	sbarrier.arrive $0xFFFF;
	s2 =	simm.s32 @!p0 $0x1C03  }
0x102: {  	[timem:s3], [sflag:s2] =	dma.local @!p0 [hbm:s0], s1  }
0x103: {  	s0 =	simm.s32 @!p0 $0x3  }
0x104: {  	_ =	swait.ge @!p0 [sflag:s0], s1  }
0x105: {  	s1 =	ssub.s32 @!p0 $0x0, s1;
	[sflag:s0] =	ssyncset.done @!p0 $0x0  }
0x106: {  	[sflag:s0] =	ssyncadd.s32 @!p0 s1  }
0x107: {  	[bflag:$0x3] =	sbarrier.arrive $0xFFFF  }
0x108: {  	_ =	shalt  }

</sc_bundles>
